<compile_context>
chip_gen: v7x
topology: tpu7x:2x2x1
jax: 0.10.2.dev20260603
libtpu: 0.0.44.dev20260713+nightly
codegen_flags: <defaults>
</compile_context>

<pallas_src>
import functools

import jax
import jax.numpy as jnp
from jax import lax
from jax.experimental import pallas as pl
from jax.experimental.pallas import tpu as pltpu
from jax.experimental.pallas import tpu_sc as plsc

NUM_CORES = 2
NUM_SUBCORES = 16
NUM_WORKERS = NUM_CORES * NUM_SUBCORES
CHUNK = 8
NBUF = 3
LOOK = 2


@functools.lru_cache(maxsize=None)
def _build(batch, seq, vocab, hidden):
    ntok = batch * seq
    tok_per_w = ntok // NUM_WORKERS
    nchunk = tok_per_w // CHUNK
    w_per_row = NUM_WORKERS // batch
    assert ntok % NUM_WORKERS == 0 and tok_per_w % CHUNK == 0
    assert NUM_WORKERS % batch == 0 and seq % w_per_row == 0
    assert CHUNK % 8 == 0 and tok_per_w % 8 == 0
    assert 2 <= NBUF <= nchunk and LOOK < NBUF

    mesh = plsc.VectorSubcoreMesh(
        core_axis_name="c", subcore_axis_name="s",
        num_cores=NUM_CORES, num_subcores=NUM_SUBCORES)

    @functools.partial(
        pl.kernel,
        out_type=jax.ShapeDtypeStruct((ntok, hidden), jnp.float32),
        mesh=mesh,
        scratch_types=[
            pltpu.VMEM((tok_per_w,), jnp.int32),
            [pltpu.VMEM((CHUNK, hidden), jnp.float32) for _ in range(NBUF)],
            [pltpu.SemaphoreType.DMA for _ in range(NBUF)],
            [pltpu.SemaphoreType.DMA for _ in range(NBUF)],
        ],
    )
    def emb(ids_hbm, table_hbm, out_hbm, idx_v, bufs, gsems, ssems):
        wid = lax.axis_index("s") * NUM_CORES + lax.axis_index("c")
        base = wid * tok_per_w

        pltpu.sync_copy(
            ids_hbm.at[wid // w_per_row,
                       pl.ds((wid % w_per_row) * tok_per_w, tok_per_w)],
            idx_v)

        def gather(c, b):
            off = pl.multiple_of(c * CHUNK, CHUNK)
            pltpu.async_copy(
                table_hbm.at[idx_v.at[pl.ds(off, CHUNK)]], bufs[b], gsems[b])

        def wait_gather(b):
            pltpu.make_async_copy(
                table_hbm.at[idx_v.at[pl.ds(0, CHUNK)]], bufs[b],
                gsems[b]).wait()

        def store(c, b):
            pltpu.async_copy(
                bufs[b], out_hbm.at[pl.ds(base + c * CHUNK, CHUNK)], ssems[b])

        def wait_store(b):
            pltpu.make_async_copy(
                bufs[b], out_hbm.at[pl.ds(base, CHUNK)], ssems[b]).wait()

        def step(c, bmod, head, tail):
            wait_gather(bmod)
            store(c, bmod)
            if not tail:
                bg = (bmod + LOOK) % NBUF
                if not head:
                    wait_store(bg)
                gather(c + LOOK, bg)

        for c in range(LOOK):
            gather(c, c % NBUF)

        c_head = min(max(NBUF - LOOK, 0), nchunk - LOOK)
        for c in range(c_head):
            step(c, c % NBUF, head=True, tail=False)

        c_mid = nchunk - LOOK - c_head
        nbody = c_mid // NBUF

        if nbody > 0:
            def body(j):
                c0 = c_head + j * NBUF
                for u in range(NBUF):
                    step(c0 + u, (c_head + u) % NBUF, head=False, tail=False)
            pl.loop(0, nbody)(body)

        for c in range(c_head + nbody * NBUF, nchunk - LOOK):
            step(c, c % NBUF, head=False, tail=False)

        for c in range(max(nchunk - LOOK, c_head), nchunk):
            step(c, c % NBUF, head=False, tail=True)

        for b in range(NBUF):
            wait_store(b)

    return emb


def kernel(input_ids, word_embeddings):
    b, s = input_ids.shape
    vocab, hidden = word_embeddings.shape
    ids = input_ids.astype(jnp.int32)
    out = _build(b, s, vocab, hidden)(ids, word_embeddings)
    return out.reshape(b, s, hidden)

# --- scband reference (transcript-rebuilt; emitter-appended) ---
"""Pipeline reference for scband-embedding-52261162058624 (READ-ONLY COPY).

The authoritative reference and input builder live on the scoring server;
editing this copy changes nothing except your own understanding.
"""

import jax, jax.numpy as jnp
import numpy as np

VOCAB = 100000
HIDDEN = 4096
B = 4
S = 2048
FP32_RESIDUAL_CONNECTION = False


def setup_inputs(seed: int = 0) -> dict:
    key = jax.random.key(seed)
    k_ids, k_tab = jax.random.split(key)
    input_ids = jax.random.randint(k_ids, (B, S), 0, VOCAB, dtype=jnp.int64 if jax.config.jax_enable_x64 else jnp.int32)
    word_embeddings = jax.random.normal(k_tab, (VOCAB, HIDDEN), dtype=jnp.float32) * 0.02
    return {"input_ids": input_ids, "word_embeddings": word_embeddings}


def reference(input_ids, word_embeddings):
    # nn.Embedding lookup: gather rows of the table by token id
    words_embeddings = jnp.take(word_embeddings, input_ids, axis=0)
    embeddings = words_embeddings
    if FP32_RESIDUAL_CONNECTION:
        embeddings = embeddings.astype(jnp.float32)
    return embeddings

if __name__ == "__main__":
    import jax
    _d = setup_inputs()
    print(jax.jit(kernel)(*tuple(_d.values())))

</pallas_src>

<mosaic_0001>
#map = affine_map<(d0, d1) -> (0, 0)>
module attributes {stable_mosaic.version = 14 : i64} {
  func.func @emb(%arg0: i32, %arg1: i32, %arg2: memref<4x2048xi32, #tpu.memory_space<hbm>>, %arg3: memref<100000x4096xf32, #tpu.memory_space<hbm>>, %arg4: memref<8192x4096xf32, #tpu.memory_space<hbm>>, %arg5: memref<256xi32, #tpu.memory_space<vmem>>, %arg6: memref<8x4096xf32, #tpu.memory_space<vmem>>, %arg7: memref<8x4096xf32, #tpu.memory_space<vmem>>, %arg8: memref<8x4096xf32, #tpu.memory_space<vmem>>, %arg9: memref<!tpu.dma_semaphore, #tpu.memory_space<semaphore_mem>>, %arg10: memref<!tpu.dma_semaphore, #tpu.memory_space<semaphore_mem>>, %arg11: memref<!tpu.dma_semaphore, #tpu.memory_space<semaphore_mem>>, %arg12: memref<!tpu.dma_semaphore, #tpu.memory_space<semaphore_mem>>, %arg13: memref<!tpu.dma_semaphore, #tpu.memory_space<semaphore_mem>>, %arg14: memref<!tpu.dma_semaphore, #tpu.memory_space<semaphore_mem>>) attributes {dimension_semantics = [#tpu.dimension_semantics<core_parallel>, #tpu.dimension_semantics<subcore_parallel>], iteration_bounds = array<i64: 2, 16>, scalar_prefetch = 0 : i64, scratch_operands = 10 : i64, tpu.core_type = #tpu.core_type<sc_vector_subcore>, window_params = [{transform_indices = #map}, {transform_indices = #map}, {transform_indices = #map}]} {
    %mul3A = arith.constant 2 : i32
    %mul3A_0 = arith.muli %arg1, %mul3A : i32
    %add3A = arith.addi %mul3A_0, %arg0 : i32
    %mul3A_1 = arith.constant 256 : i32
    %mul3A_2 = arith.muli %add3A, %mul3A_1 : i32
    %jit3A = arith.constant 8 : i32
    %div3A = arith.divsi %add3A, %jit3A : i32
    %sign3A = arith.constant 0 : i32
    %sign3A_3 = arith.cmpi sgt, %add3A, %sign3A : i32
    %sign3A_4 = arith.extui %sign3A_3 : i1 to i32
    %sign3A_5 = arith.constant 0 : i32
    %sign3A_6 = arith.cmpi slt, %add3A, %sign3A_5 : i32
    %sign3A_7 = arith.extui %sign3A_6 : i1 to i32
    %sign3A_8 = arith.subi %sign3A_4, %sign3A_7 : i32
    %sign3A_9 = arith.constant 0 : i32
    %sign3A_10 = arith.cmpi sgt, %jit3A, %sign3A_9 : i32
    %sign3A_11 = arith.extui %sign3A_10 : i1 to i32
    %sign3A_12 = arith.constant 0 : i32
    %sign3A_13 = arith.cmpi slt, %jit3A, %sign3A_12 : i32
    %sign3A_14 = arith.extui %sign3A_13 : i1 to i32
    %sign3A_15 = arith.subi %sign3A_11, %sign3A_14 : i32
    %ne3A = arith.cmpi ne, %sign3A_8, %sign3A_15 : i32
    %rem3A = arith.remsi %add3A, %jit3A : i32
    %ne3A_16 = arith.constant 0 : i32
    %ne3A_17 = arith.cmpi ne, %rem3A, %ne3A_16 : i32
    %and3A = arith.andi %ne3A, %ne3A_17 : i1
    %sub3A = arith.constant 1 : i32
    %sub3A_18 = arith.subi %div3A, %sub3A : i32
    %select_n3A = arith.select %and3A, %sub3A_18, %div3A : i32
    %jit3A_19 = arith.constant 8 : i32
    %eq3A = arith.constant 0 : i32
    %eq3A_20 = arith.cmpi eq, %jit3A_19, %eq3A : i32
    %jit3A_21 = arith.constant 1 : i32
    %select_n3A_22 = arith.select %eq3A_20, %jit3A_21, %jit3A_19 : i32
    %rem3A_23 = arith.remsi %add3A, %select_n3A_22 : i32
    %ne3A_24 = arith.constant 0 : i32
    %ne3A_25 = arith.cmpi ne, %rem3A_23, %ne3A_24 : i32
    %lt3A = arith.constant 0 : i32
    %lt3A_26 = arith.cmpi slt, %rem3A_23, %lt3A : i32
    %lt3A_27 = arith.constant 0 : i32
    %lt3A_28 = arith.cmpi slt, %select_n3A_22, %lt3A_27 : i32
    %ne3A_29 = arith.xori %lt3A_26, %lt3A_28 : i1
    %and3A_30 = arith.andi %ne3A_29, %ne3A_25 : i1
    %add3A_31 = arith.addi %rem3A_23, %select_n3A_22 : i32
    %select_n3A_32 = arith.select %and3A_30, %add3A_31, %rem3A_23 : i32
    %mul3A_33 = arith.constant 256 : i32
    %mul3A_34 = arith.muli %select_n3A_32, %mul3A_33 : i32
    "tpu.region"() ({
      %run_scoped3A = tpu.sem_alloc : memref<!tpu.dma_semaphore, #tpu.memory_space<semaphore_mem>>
      %dma_start3A_141 = tpu.memref_slice %arg2[%select_n3A, %mul3A_34] : memref<4x2048xi32, #tpu.memory_space<hbm>> -> memref<1x256xi32, #tpu.memory_space<hbm>>
      %dma_start3A_142 = tpu.memref_squeeze %dma_start3A_141 : memref<1x256xi32, #tpu.memory_space<hbm>> -> memref<256xi32, #tpu.memory_space<hbm>>
      %dma_start3A_143 = tpu.memref_slice %arg2[%select_n3A, %mul3A_34] : memref<4x2048xi32, #tpu.memory_space<hbm>> -> memref<1x256xi32, #tpu.memory_space<hbm>>
      %dma_start3A_144 = tpu.memref_squeeze %dma_start3A_143 : memref<1x256xi32, #tpu.memory_space<hbm>> -> memref<256xi32, #tpu.memory_space<hbm>>
      tpu.enqueue_dma source(%dma_start3A_144 : memref<256xi32, #tpu.memory_space<hbm>>) target(%arg5 : memref<256xi32, #tpu.memory_space<vmem>>) target_semaphore(%run_scoped3A : memref<!tpu.dma_semaphore, #tpu.memory_space<semaphore_mem>>)
      %dma_wait3A_145 = tpu.memref_slice %arg2[%select_n3A, %mul3A_34] : memref<4x2048xi32, #tpu.memory_space<hbm>> -> memref<1x256xi32, #tpu.memory_space<hbm>>
      %dma_wait3A_146 = tpu.memref_squeeze %dma_wait3A_145 : memref<1x256xi32, #tpu.memory_space<hbm>> -> memref<256xi32, #tpu.memory_space<hbm>>
      %dma_wait3A_147 = tpu.memref_slice %arg2[%select_n3A, %mul3A_34] : memref<4x2048xi32, #tpu.memory_space<hbm>> -> memref<1x256xi32, #tpu.memory_space<hbm>>
      %dma_wait3A_148 = tpu.memref_squeeze %dma_wait3A_147 : memref<1x256xi32, #tpu.memory_space<hbm>> -> memref<256xi32, #tpu.memory_space<hbm>>
      tpu.wait_dma2 semaphore(%run_scoped3A : memref<!tpu.dma_semaphore, #tpu.memory_space<semaphore_mem>>) src(%dma_wait3A_148 : memref<256xi32, #tpu.memory_space<hbm>>) dst(%arg5 : memref<256xi32, #tpu.memory_space<vmem>>)
      tpu.yield
    }) : () -> ()
    %multiple_of3A = arith.constant 0 : i32
    %multiple_of3A_35 = tpu.assume_multiple %multiple_of3A, 8 : i32
    %dma_start3A = tpu.memref_slice %arg5[%multiple_of3A_35] : memref<256xi32, #tpu.memory_space<vmem>> -> memref<8xi32, #tpu.memory_space<vmem>>
    %dma_start3A_36 = arith.constant 0 : i32
    %dma_start3A_37 = arith.constant 0 : i32
    %dma_start3A_38 = tpu.memref_slice %arg3[%dma_start3A_36, %dma_start3A_37] : memref<100000x4096xf32, #tpu.memory_space<hbm>> -> memref<100000x4096xf32, #tpu.memory_space<hbm>>
    tpu.enqueue_indirect_dma source(%dma_start3A_38 : memref<100000x4096xf32, #tpu.memory_space<hbm>>) target(%arg6 : memref<8x4096xf32, #tpu.memory_space<vmem>>) offsets(%dma_start3A : memref<8xi32, #tpu.memory_space<vmem>>) semaphore(%arg9 : memref<!tpu.dma_semaphore, #tpu.memory_space<semaphore_mem>>)
    %multiple_of3A_39 = arith.constant 8 : i32
    %multiple_of3A_40 = tpu.assume_multiple %multiple_of3A_39, 8 : i32
    %dma_start3A_41 = tpu.memref_slice %arg5[%multiple_of3A_40] : memref<256xi32, #tpu.memory_space<vmem>> -> memref<8xi32, #tpu.memory_space<vmem>>
    %dma_start3A_42 = arith.constant 0 : i32
    %dma_start3A_43 = arith.constant 0 : i32
    %dma_start3A_44 = tpu.memref_slice %arg3[%dma_start3A_42, %dma_start3A_43] : memref<100000x4096xf32, #tpu.memory_space<hbm>> -> memref<100000x4096xf32, #tpu.memory_space<hbm>>
    tpu.enqueue_indirect_dma source(%dma_start3A_44 : memref<100000x4096xf32, #tpu.memory_space<hbm>>) target(%arg7 : memref<8x4096xf32, #tpu.memory_space<vmem>>) offsets(%dma_start3A_41 : memref<8xi32, #tpu.memory_space<vmem>>) semaphore(%arg10 : memref<!tpu.dma_semaphore, #tpu.memory_space<semaphore_mem>>)
    %dma_wait3A = arith.constant 0 : i32
    %dma_wait3A_45 = tpu.memref_slice %arg5[%dma_wait3A] : memref<256xi32, #tpu.memory_space<vmem>> -> memref<8xi32, #tpu.memory_space<vmem>>
    %dma_wait3A_46 = arith.constant 0 : i32
    %dma_wait3A_47 = arith.constant 0 : i32
    %dma_wait3A_48 = tpu.memref_slice %arg3[%dma_wait3A_46, %dma_wait3A_47] : memref<100000x4096xf32, #tpu.memory_space<hbm>> -> memref<100000x4096xf32, #tpu.memory_space<hbm>>
    tpu.wait_indirect_dma semaphore(%arg9 : memref<!tpu.dma_semaphore, #tpu.memory_space<semaphore_mem>>) src(%dma_wait3A_48 : memref<100000x4096xf32, #tpu.memory_space<hbm>>) dst(%arg6 : memref<8x4096xf32, #tpu.memory_space<vmem>>)
    %add3A_49 = arith.constant 0 : i32
    %add3A_50 = arith.addi %mul3A_2, %add3A_49 : i32
    %dma_start3A_51 = arith.constant 0 : i32
    %dma_start3A_52 = tpu.memref_slice %arg4[%add3A_50, %dma_start3A_51] : memref<8192x4096xf32, #tpu.memory_space<hbm>> -> memref<8x4096xf32, #tpu.memory_space<hbm>>
    %dma_start3A_53 = arith.constant 0 : i32
    %dma_start3A_54 = tpu.memref_slice %arg4[%add3A_50, %dma_start3A_53] : memref<8192x4096xf32, #tpu.memory_space<hbm>> -> memref<8x4096xf32, #tpu.memory_space<hbm>>
    tpu.enqueue_dma source(%arg6 : memref<8x4096xf32, #tpu.memory_space<vmem>>) target(%dma_start3A_54 : memref<8x4096xf32, #tpu.memory_space<hbm>>) target_semaphore(%arg12 : memref<!tpu.dma_semaphore, #tpu.memory_space<semaphore_mem>>)
    %multiple_of3A_55 = arith.constant 16 : i32
    %multiple_of3A_56 = tpu.assume_multiple %multiple_of3A_55, 8 : i32
    %dma_start3A_57 = tpu.memref_slice %arg5[%multiple_of3A_56] : memref<256xi32, #tpu.memory_space<vmem>> -> memref<8xi32, #tpu.memory_space<vmem>>
    %dma_start3A_58 = arith.constant 0 : i32
    %dma_start3A_59 = arith.constant 0 : i32
    %dma_start3A_60 = tpu.memref_slice %arg3[%dma_start3A_58, %dma_start3A_59] : memref<100000x4096xf32, #tpu.memory_space<hbm>> -> memref<100000x4096xf32, #tpu.memory_space<hbm>>
    tpu.enqueue_indirect_dma source(%dma_start3A_60 : memref<100000x4096xf32, #tpu.memory_space<hbm>>) target(%arg8 : memref<8x4096xf32, #tpu.memory_space<vmem>>) offsets(%dma_start3A_57 : memref<8xi32, #tpu.memory_space<vmem>>) semaphore(%arg11 : memref<!tpu.dma_semaphore, #tpu.memory_space<semaphore_mem>>)
    %scan3A = arith.constant 0 : i32
    %scan3A_61 = arith.constant 9 : i32
    %scan3A_62 = arith.addi %scan3A, %scan3A_61 : i32
    %scan3A_63 = arith.constant 1 : i32
    scf.for %scan3A_141 = %scan3A to %scan3A_62 step %scan3A_63  : i32 {
      %mul3A_142 = arith.constant 1 : i32
      %mul3A_143 = arith.muli %scan3A_141, %mul3A_142 : i32
      %add3A_144 = arith.constant 0 : i32
      %add3A_145 = arith.addi %add3A_144, %mul3A_143 : i32
      %mul3A_146 = arith.constant 3 : i32
      %mul3A_147 = arith.muli %add3A_145, %mul3A_146 : i32
      %add3A_148 = arith.constant 1 : i32
      %add3A_149 = arith.addi %add3A_148, %mul3A_147 : i32
      %add3A_150 = arith.constant 0 : i32
      %add3A_151 = arith.addi %add3A_149, %add3A_150 : i32
      %dma_wait3A_152 = arith.constant 0 : i32
      %dma_wait3A_153 = tpu.memref_slice %arg5[%dma_wait3A_152] : memref<256xi32, #tpu.memory_space<vmem>> -> memref<8xi32, #tpu.memory_space<vmem>>
      %dma_wait3A_154 = arith.constant 0 : i32
      %dma_wait3A_155 = arith.constant 0 : i32
      %dma_wait3A_156 = tpu.memref_slice %arg3[%dma_wait3A_154, %dma_wait3A_155] : memref<100000x4096xf32, #tpu.memory_space<hbm>> -> memref<100000x4096xf32, #tpu.memory_space<hbm>>
      tpu.wait_indirect_dma semaphore(%arg10 : memref<!tpu.dma_semaphore, #tpu.memory_space<semaphore_mem>>) src(%dma_wait3A_156 : memref<100000x4096xf32, #tpu.memory_space<hbm>>) dst(%arg7 : memref<8x4096xf32, #tpu.memory_space<vmem>>)
      %mul3A_157 = arith.constant 8 : i32
      %mul3A_158 = arith.muli %add3A_151, %mul3A_157 : i32
      %add3A_159 = arith.addi %mul3A_2, %mul3A_158 : i32
      %dma_start3A_160 = arith.constant 0 : i32
      %dma_start3A_161 = tpu.memref_slice %arg4[%add3A_159, %dma_start3A_160] : memref<8192x4096xf32, #tpu.memory_space<hbm>> -> memref<8x4096xf32, #tpu.memory_space<hbm>>
      %dma_start3A_162 = arith.constant 0 : i32
      %dma_start3A_163 = tpu.memref_slice %arg4[%add3A_159, %dma_start3A_162] : memref<8192x4096xf32, #tpu.memory_space<hbm>> -> memref<8x4096xf32, #tpu.memory_space<hbm>>
      tpu.enqueue_dma source(%arg7 : memref<8x4096xf32, #tpu.memory_space<vmem>>) target(%dma_start3A_163 : memref<8x4096xf32, #tpu.memory_space<hbm>>) target_semaphore(%arg13 : memref<!tpu.dma_semaphore, #tpu.memory_space<semaphore_mem>>)
      %dma_wait3A_164 = arith.constant 0 : i32
      %dma_wait3A_165 = tpu.memref_slice %arg4[%mul3A_2, %dma_wait3A_164] : memref<8192x4096xf32, #tpu.memory_space<hbm>> -> memref<8x4096xf32, #tpu.memory_space<hbm>>
      %dma_wait3A_166 = arith.constant 0 : i32
      %dma_wait3A_167 = tpu.memref_slice %arg4[%mul3A_2, %dma_wait3A_166] : memref<8192x4096xf32, #tpu.memory_space<hbm>> -> memref<8x4096xf32, #tpu.memory_space<hbm>>
      tpu.wait_dma2 semaphore(%arg12 : memref<!tpu.dma_semaphore, #tpu.memory_space<semaphore_mem>>) src(%arg6 : memref<8x4096xf32, #tpu.memory_space<vmem>>) dst(%dma_wait3A_167 : memref<8x4096xf32, #tpu.memory_space<hbm>>)
      %add3A_168 = arith.constant 2 : i32
      %add3A_169 = arith.addi %add3A_151, %add3A_168 : i32
      %mul3A_170 = arith.constant 8 : i32
      %mul3A_171 = arith.muli %add3A_169, %mul3A_170 : i32
      %multiple_of3A_172 = tpu.assume_multiple %mul3A_171, 8 : i32
      %dma_start3A_173 = tpu.memref_slice %arg5[%multiple_of3A_172] : memref<256xi32, #tpu.memory_space<vmem>> -> memref<8xi32, #tpu.memory_space<vmem>>
      %dma_start3A_174 = arith.constant 0 : i32
      %dma_start3A_175 = arith.constant 0 : i32
      %dma_start3A_176 = tpu.memref_slice %arg3[%dma_start3A_174, %dma_start3A_175] : memref<100000x4096xf32, #tpu.memory_space<hbm>> -> memref<100000x4096xf32, #tpu.memory_space<hbm>>
      tpu.enqueue_indirect_dma source(%dma_start3A_176 : memref<100000x4096xf32, #tpu.memory_space<hbm>>) target(%arg6 : memref<8x4096xf32, #tpu.memory_space<vmem>>) offsets(%dma_start3A_173 : memref<8xi32, #tpu.memory_space<vmem>>) semaphore(%arg9 : memref<!tpu.dma_semaphore, #tpu.memory_space<semaphore_mem>>)
      %add3A_177 = arith.constant 1 : i32
      %add3A_178 = arith.addi %add3A_149, %add3A_177 : i32
      %dma_wait3A_179 = arith.constant 0 : i32
      %dma_wait3A_180 = tpu.memref_slice %arg5[%dma_wait3A_179] : memref<256xi32, #tpu.memory_space<vmem>> -> memref<8xi32, #tpu.memory_space<vmem>>
      %dma_wait3A_181 = arith.constant 0 : i32
      %dma_wait3A_182 = arith.constant 0 : i32
      %dma_wait3A_183 = tpu.memref_slice %arg3[%dma_wait3A_181, %dma_wait3A_182] : memref<100000x4096xf32, #tpu.memory_space<hbm>> -> memref<100000x4096xf32, #tpu.memory_space<hbm>>
      tpu.wait_indirect_dma semaphore(%arg11 : memref<!tpu.dma_semaphore, #tpu.memory_space<semaphore_mem>>) src(%dma_wait3A_183 : memref<100000x4096xf32, #tpu.memory_space<hbm>>) dst(%arg8 : memref<8x4096xf32, #tpu.memory_space<vmem>>)
      %mul3A_184 = arith.constant 8 : i32
      %mul3A_185 = arith.muli %add3A_178, %mul3A_184 : i32
      %add3A_186 = arith.addi %mul3A_2, %mul3A_185 : i32
      %dma_start3A_187 = arith.constant 0 : i32
      %dma_start3A_188 = tpu.memref_slice %arg4[%add3A_186, %dma_start3A_187] : memref<8192x4096xf32, #tpu.memory_space<hbm>> -> memref<8x4096xf32, #tpu.memory_space<hbm>>
      %dma_start3A_189 = arith.constant 0 : i32
      %dma_start3A_190 = tpu.memref_slice %arg4[%add3A_186, %dma_start3A_189] : memref<8192x4096xf32, #tpu.memory_space<hbm>> -> memref<8x4096xf32, #tpu.memory_space<hbm>>
      tpu.enqueue_dma source(%arg8 : memref<8x4096xf32, #tpu.memory_space<vmem>>) target(%dma_start3A_190 : memref<8x4096xf32, #tpu.memory_space<hbm>>) target_semaphore(%arg14 : memref<!tpu.dma_semaphore, #tpu.memory_space<semaphore_mem>>)
      %dma_wait3A_191 = arith.constant 0 : i32
      %dma_wait3A_192 = tpu.memref_slice %arg4[%mul3A_2, %dma_wait3A_191] : memref<8192x4096xf32, #tpu.memory_space<hbm>> -> memref<8x4096xf32, #tpu.memory_space<hbm>>
      %dma_wait3A_193 = arith.constant 0 : i32
      %dma_wait3A_194 = tpu.memref_slice %arg4[%mul3A_2, %dma_wait3A_193] : memref<8192x4096xf32, #tpu.memory_space<hbm>> -> memref<8x4096xf32, #tpu.memory_space<hbm>>
      tpu.wait_dma2 semaphore(%arg13 : memref<!tpu.dma_semaphore, #tpu.memory_space<semaphore_mem>>) src(%arg7 : memref<8x4096xf32, #tpu.memory_space<vmem>>) dst(%dma_wait3A_194 : memref<8x4096xf32, #tpu.memory_space<hbm>>)
      %add3A_195 = arith.constant 2 : i32
      %add3A_196 = arith.addi %add3A_178, %add3A_195 : i32
      %mul3A_197 = arith.constant 8 : i32
      %mul3A_198 = arith.muli %add3A_196, %mul3A_197 : i32
      %multiple_of3A_199 = tpu.assume_multiple %mul3A_198, 8 : i32
      %dma_start3A_200 = tpu.memref_slice %arg5[%multiple_of3A_199] : memref<256xi32, #tpu.memory_space<vmem>> -> memref<8xi32, #tpu.memory_space<vmem>>
      %dma_start3A_201 = arith.constant 0 : i32
      %dma_start3A_202 = arith.constant 0 : i32
      %dma_start3A_203 = tpu.memref_slice %arg3[%dma_start3A_201, %dma_start3A_202] : memref<100000x4096xf32, #tpu.memory_space<hbm>> -> memref<100000x4096xf32, #tpu.memory_space<hbm>>
      tpu.enqueue_indirect_dma source(%dma_start3A_203 : memref<100000x4096xf32, #tpu.memory_space<hbm>>) target(%arg7 : memref<8x4096xf32, #tpu.memory_space<vmem>>) offsets(%dma_start3A_200 : memref<8xi32, #tpu.memory_space<vmem>>) semaphore(%arg10 : memref<!tpu.dma_semaphore, #tpu.memory_space<semaphore_mem>>)
      %add3A_204 = arith.constant 2 : i32
      %add3A_205 = arith.addi %add3A_149, %add3A_204 : i32
      %dma_wait3A_206 = arith.constant 0 : i32
      %dma_wait3A_207 = tpu.memref_slice %arg5[%dma_wait3A_206] : memref<256xi32, #tpu.memory_space<vmem>> -> memref<8xi32, #tpu.memory_space<vmem>>
      %dma_wait3A_208 = arith.constant 0 : i32
      %dma_wait3A_209 = arith.constant 0 : i32
      %dma_wait3A_210 = tpu.memref_slice %arg3[%dma_wait3A_208, %dma_wait3A_209] : memref<100000x4096xf32, #tpu.memory_space<hbm>> -> memref<100000x4096xf32, #tpu.memory_space<hbm>>
      tpu.wait_indirect_dma semaphore(%arg9 : memref<!tpu.dma_semaphore, #tpu.memory_space<semaphore_mem>>) src(%dma_wait3A_210 : memref<100000x4096xf32, #tpu.memory_space<hbm>>) dst(%arg6 : memref<8x4096xf32, #tpu.memory_space<vmem>>)
      %mul3A_211 = arith.constant 8 : i32
      %mul3A_212 = arith.muli %add3A_205, %mul3A_211 : i32
      %add3A_213 = arith.addi %mul3A_2, %mul3A_212 : i32
      %dma_start3A_214 = arith.constant 0 : i32
      %dma_start3A_215 = tpu.memref_slice %arg4[%add3A_213, %dma_start3A_214] : memref<8192x4096xf32, #tpu.memory_space<hbm>> -> memref<8x4096xf32, #tpu.memory_space<hbm>>
      %dma_start3A_216 = arith.constant 0 : i32
      %dma_start3A_217 = tpu.memref_slice %arg4[%add3A_213, %dma_start3A_216] : memref<8192x4096xf32, #tpu.memory_space<hbm>> -> memref<8x4096xf32, #tpu.memory_space<hbm>>
      tpu.enqueue_dma source(%arg6 : memref<8x4096xf32, #tpu.memory_space<vmem>>) target(%dma_start3A_217 : memref<8x4096xf32, #tpu.memory_space<hbm>>) target_semaphore(%arg12 : memref<!tpu.dma_semaphore, #tpu.memory_space<semaphore_mem>>)
      %dma_wait3A_218 = arith.constant 0 : i32
      %dma_wait3A_219 = tpu.memref_slice %arg4[%mul3A_2, %dma_wait3A_218] : memref<8192x4096xf32, #tpu.memory_space<hbm>> -> memref<8x4096xf32, #tpu.memory_space<hbm>>
      %dma_wait3A_220 = arith.constant 0 : i32
      %dma_wait3A_221 = tpu.memref_slice %arg4[%mul3A_2, %dma_wait3A_220] : memref<8192x4096xf32, #tpu.memory_space<hbm>> -> memref<8x4096xf32, #tpu.memory_space<hbm>>
      tpu.wait_dma2 semaphore(%arg14 : memref<!tpu.dma_semaphore, #tpu.memory_space<semaphore_mem>>) src(%arg8 : memref<8x4096xf32, #tpu.memory_space<vmem>>) dst(%dma_wait3A_221 : memref<8x4096xf32, #tpu.memory_space<hbm>>)
      %add3A_222 = arith.constant 2 : i32
      %add3A_223 = arith.addi %add3A_205, %add3A_222 : i32
      %mul3A_224 = arith.constant 8 : i32
      %mul3A_225 = arith.muli %add3A_223, %mul3A_224 : i32
      %multiple_of3A_226 = tpu.assume_multiple %mul3A_225, 8 : i32
      %dma_start3A_227 = tpu.memref_slice %arg5[%multiple_of3A_226] : memref<256xi32, #tpu.memory_space<vmem>> -> memref<8xi32, #tpu.memory_space<vmem>>
      %dma_start3A_228 = arith.constant 0 : i32
      %dma_start3A_229 = arith.constant 0 : i32
      %dma_start3A_230 = tpu.memref_slice %arg3[%dma_start3A_228, %dma_start3A_229] : memref<100000x4096xf32, #tpu.memory_space<hbm>> -> memref<100000x4096xf32, #tpu.memory_space<hbm>>
      tpu.enqueue_indirect_dma source(%dma_start3A_230 : memref<100000x4096xf32, #tpu.memory_space<hbm>>) target(%arg8 : memref<8x4096xf32, #tpu.memory_space<vmem>>) offsets(%dma_start3A_227 : memref<8xi32, #tpu.memory_space<vmem>>) semaphore(%arg11 : memref<!tpu.dma_semaphore, #tpu.memory_space<semaphore_mem>>)
    }
    %scan3A_64 = arith.constant 9 : i32
    %dma_wait3A_65 = arith.constant 0 : i32
    %dma_wait3A_66 = tpu.memref_slice %arg5[%dma_wait3A_65] : memref<256xi32, #tpu.memory_space<vmem>> -> memref<8xi32, #tpu.memory_space<vmem>>
    %dma_wait3A_67 = arith.constant 0 : i32
    %dma_wait3A_68 = arith.constant 0 : i32
    %dma_wait3A_69 = tpu.memref_slice %arg3[%dma_wait3A_67, %dma_wait3A_68] : memref<100000x4096xf32, #tpu.memory_space<hbm>> -> memref<100000x4096xf32, #tpu.memory_space<hbm>>
    tpu.wait_indirect_dma semaphore(%arg10 : memref<!tpu.dma_semaphore, #tpu.memory_space<semaphore_mem>>) src(%dma_wait3A_69 : memref<100000x4096xf32, #tpu.memory_space<hbm>>) dst(%arg7 : memref<8x4096xf32, #tpu.memory_space<vmem>>)
    %add3A_70 = arith.constant 224 : i32
    %add3A_71 = arith.addi %mul3A_2, %add3A_70 : i32
    %dma_start3A_72 = arith.constant 0 : i32
    %dma_start3A_73 = tpu.memref_slice %arg4[%add3A_71, %dma_start3A_72] : memref<8192x4096xf32, #tpu.memory_space<hbm>> -> memref<8x4096xf32, #tpu.memory_space<hbm>>
    %dma_start3A_74 = arith.constant 0 : i32
    %dma_start3A_75 = tpu.memref_slice %arg4[%add3A_71, %dma_start3A_74] : memref<8192x4096xf32, #tpu.memory_space<hbm>> -> memref<8x4096xf32, #tpu.memory_space<hbm>>
    tpu.enqueue_dma source(%arg7 : memref<8x4096xf32, #tpu.memory_space<vmem>>) target(%dma_start3A_75 : memref<8x4096xf32, #tpu.memory_space<hbm>>) target_semaphore(%arg13 : memref<!tpu.dma_semaphore, #tpu.memory_space<semaphore_mem>>)
    %dma_wait3A_76 = arith.constant 0 : i32
    %dma_wait3A_77 = tpu.memref_slice %arg4[%mul3A_2, %dma_wait3A_76] : memref<8192x4096xf32, #tpu.memory_space<hbm>> -> memref<8x4096xf32, #tpu.memory_space<hbm>>
    %dma_wait3A_78 = arith.constant 0 : i32
    %dma_wait3A_79 = tpu.memref_slice %arg4[%mul3A_2, %dma_wait3A_78] : memref<8192x4096xf32, #tpu.memory_space<hbm>> -> memref<8x4096xf32, #tpu.memory_space<hbm>>
    tpu.wait_dma2 semaphore(%arg12 : memref<!tpu.dma_semaphore, #tpu.memory_space<semaphore_mem>>) src(%arg6 : memref<8x4096xf32, #tpu.memory_space<vmem>>) dst(%dma_wait3A_79 : memref<8x4096xf32, #tpu.memory_space<hbm>>)
    %multiple_of3A_80 = arith.constant 240 : i32
    %multiple_of3A_81 = tpu.assume_multiple %multiple_of3A_80, 8 : i32
    %dma_start3A_82 = tpu.memref_slice %arg5[%multiple_of3A_81] : memref<256xi32, #tpu.memory_space<vmem>> -> memref<8xi32, #tpu.memory_space<vmem>>
    %dma_start3A_83 = arith.constant 0 : i32
    %dma_start3A_84 = arith.constant 0 : i32
    %dma_start3A_85 = tpu.memref_slice %arg3[%dma_start3A_83, %dma_start3A_84] : memref<100000x4096xf32, #tpu.memory_space<hbm>> -> memref<100000x4096xf32, #tpu.memory_space<hbm>>
    tpu.enqueue_indirect_dma source(%dma_start3A_85 : memref<100000x4096xf32, #tpu.memory_space<hbm>>) target(%arg6 : memref<8x4096xf32, #tpu.memory_space<vmem>>) offsets(%dma_start3A_82 : memref<8xi32, #tpu.memory_space<vmem>>) semaphore(%arg9 : memref<!tpu.dma_semaphore, #tpu.memory_space<semaphore_mem>>)
    %dma_wait3A_86 = arith.constant 0 : i32
    %dma_wait3A_87 = tpu.memref_slice %arg5[%dma_wait3A_86] : memref<256xi32, #tpu.memory_space<vmem>> -> memref<8xi32, #tpu.memory_space<vmem>>
    %dma_wait3A_88 = arith.constant 0 : i32
    %dma_wait3A_89 = arith.constant 0 : i32
    %dma_wait3A_90 = tpu.memref_slice %arg3[%dma_wait3A_88, %dma_wait3A_89] : memref<100000x4096xf32, #tpu.memory_space<hbm>> -> memref<100000x4096xf32, #tpu.memory_space<hbm>>
    tpu.wait_indirect_dma semaphore(%arg11 : memref<!tpu.dma_semaphore, #tpu.memory_space<semaphore_mem>>) src(%dma_wait3A_90 : memref<100000x4096xf32, #tpu.memory_space<hbm>>) dst(%arg8 : memref<8x4096xf32, #tpu.memory_space<vmem>>)
    %add3A_91 = arith.constant 232 : i32
    %add3A_92 = arith.addi %mul3A_2, %add3A_91 : i32
    %dma_start3A_93 = arith.constant 0 : i32
    %dma_start3A_94 = tpu.memref_slice %arg4[%add3A_92, %dma_start3A_93] : memref<8192x4096xf32, #tpu.memory_space<hbm>> -> memref<8x4096xf32, #tpu.memory_space<hbm>>
    %dma_start3A_95 = arith.constant 0 : i32
    %dma_start3A_96 = tpu.memref_slice %arg4[%add3A_92, %dma_start3A_95] : memref<8192x4096xf32, #tpu.memory_space<hbm>> -> memref<8x4096xf32, #tpu.memory_space<hbm>>
    tpu.enqueue_dma source(%arg8 : memref<8x4096xf32, #tpu.memory_space<vmem>>) target(%dma_start3A_96 : memref<8x4096xf32, #tpu.memory_space<hbm>>) target_semaphore(%arg14 : memref<!tpu.dma_semaphore, #tpu.memory_space<semaphore_mem>>)
    %dma_wait3A_97 = arith.constant 0 : i32
    %dma_wait3A_98 = tpu.memref_slice %arg4[%mul3A_2, %dma_wait3A_97] : memref<8192x4096xf32, #tpu.memory_space<hbm>> -> memref<8x4096xf32, #tpu.memory_space<hbm>>
    %dma_wait3A_99 = arith.constant 0 : i32
    %dma_wait3A_100 = tpu.memref_slice %arg4[%mul3A_2, %dma_wait3A_99] : memref<8192x4096xf32, #tpu.memory_space<hbm>> -> memref<8x4096xf32, #tpu.memory_space<hbm>>
    tpu.wait_dma2 semaphore(%arg13 : memref<!tpu.dma_semaphore, #tpu.memory_space<semaphore_mem>>) src(%arg7 : memref<8x4096xf32, #tpu.memory_space<vmem>>) dst(%dma_wait3A_100 : memref<8x4096xf32, #tpu.memory_space<hbm>>)
    %multiple_of3A_101 = arith.constant 248 : i32
    %multiple_of3A_102 = tpu.assume_multiple %multiple_of3A_101, 8 : i32
    %dma_start3A_103 = tpu.memref_slice %arg5[%multiple_of3A_102] : memref<256xi32, #tpu.memory_space<vmem>> -> memref<8xi32, #tpu.memory_space<vmem>>
    %dma_start3A_104 = arith.constant 0 : i32
    %dma_start3A_105 = arith.constant 0 : i32
    %dma_start3A_106 = tpu.memref_slice %arg3[%dma_start3A_104, %dma_start3A_105] : memref<100000x4096xf32, #tpu.memory_space<hbm>> -> memref<100000x4096xf32, #tpu.memory_space<hbm>>
    tpu.enqueue_indirect_dma source(%dma_start3A_106 : memref<100000x4096xf32, #tpu.memory_space<hbm>>) target(%arg7 : memref<8x4096xf32, #tpu.memory_space<vmem>>) offsets(%dma_start3A_103 : memref<8xi32, #tpu.memory_space<vmem>>) semaphore(%arg10 : memref<!tpu.dma_semaphore, #tpu.memory_space<semaphore_mem>>)
    %dma_wait3A_107 = arith.constant 0 : i32
    %dma_wait3A_108 = tpu.memref_slice %arg5[%dma_wait3A_107] : memref<256xi32, #tpu.memory_space<vmem>> -> memref<8xi32, #tpu.memory_space<vmem>>
    %dma_wait3A_109 = arith.constant 0 : i32
    %dma_wait3A_110 = arith.constant 0 : i32
    %dma_wait3A_111 = tpu.memref_slice %arg3[%dma_wait3A_109, %dma_wait3A_110] : memref<100000x4096xf32, #tpu.memory_space<hbm>> -> memref<100000x4096xf32, #tpu.memory_space<hbm>>
    tpu.wait_indirect_dma semaphore(%arg9 : memref<!tpu.dma_semaphore, #tpu.memory_space<semaphore_mem>>) src(%dma_wait3A_111 : memref<100000x4096xf32, #tpu.memory_space<hbm>>) dst(%arg6 : memref<8x4096xf32, #tpu.memory_space<vmem>>)
    %add3A_112 = arith.constant 240 : i32
    %add3A_113 = arith.addi %mul3A_2, %add3A_112 : i32
    %dma_start3A_114 = arith.constant 0 : i32
    %dma_start3A_115 = tpu.memref_slice %arg4[%add3A_113, %dma_start3A_114] : memref<8192x4096xf32, #tpu.memory_space<hbm>> -> memref<8x4096xf32, #tpu.memory_space<hbm>>
    %dma_start3A_116 = arith.constant 0 : i32
    %dma_start3A_117 = tpu.memref_slice %arg4[%add3A_113, %dma_start3A_116] : memref<8192x4096xf32, #tpu.memory_space<hbm>> -> memref<8x4096xf32, #tpu.memory_space<hbm>>
    tpu.enqueue_dma source(%arg6 : memref<8x4096xf32, #tpu.memory_space<vmem>>) target(%dma_start3A_117 : memref<8x4096xf32, #tpu.memory_space<hbm>>) target_semaphore(%arg12 : memref<!tpu.dma_semaphore, #tpu.memory_space<semaphore_mem>>)
    %dma_wait3A_118 = arith.constant 0 : i32
    %dma_wait3A_119 = tpu.memref_slice %arg5[%dma_wait3A_118] : memref<256xi32, #tpu.memory_space<vmem>> -> memref<8xi32, #tpu.memory_space<vmem>>
    %dma_wait3A_120 = arith.constant 0 : i32
    %dma_wait3A_121 = arith.constant 0 : i32
    %dma_wait3A_122 = tpu.memref_slice %arg3[%dma_wait3A_120, %dma_wait3A_121] : memref<100000x4096xf32, #tpu.memory_space<hbm>> -> memref<100000x4096xf32, #tpu.memory_space<hbm>>
    tpu.wait_indirect_dma semaphore(%arg10 : memref<!tpu.dma_semaphore, #tpu.memory_space<semaphore_mem>>) src(%dma_wait3A_122 : memref<100000x4096xf32, #tpu.memory_space<hbm>>) dst(%arg7 : memref<8x4096xf32, #tpu.memory_space<vmem>>)
    %add3A_123 = arith.constant 248 : i32
    %add3A_124 = arith.addi %mul3A_2, %add3A_123 : i32
    %dma_start3A_125 = arith.constant 0 : i32
    %dma_start3A_126 = tpu.memref_slice %arg4[%add3A_124, %dma_start3A_125] : memref<8192x4096xf32, #tpu.memory_space<hbm>> -> memref<8x4096xf32, #tpu.memory_space<hbm>>
    %dma_start3A_127 = arith.constant 0 : i32
    %dma_start3A_128 = tpu.memref_slice %arg4[%add3A_124, %dma_start3A_127] : memref<8192x4096xf32, #tpu.memory_space<hbm>> -> memref<8x4096xf32, #tpu.memory_space<hbm>>
    tpu.enqueue_dma source(%arg7 : memref<8x4096xf32, #tpu.memory_space<vmem>>) target(%dma_start3A_128 : memref<8x4096xf32, #tpu.memory_space<hbm>>) target_semaphore(%arg13 : memref<!tpu.dma_semaphore, #tpu.memory_space<semaphore_mem>>)
    %dma_wait3A_129 = arith.constant 0 : i32
    %dma_wait3A_130 = tpu.memref_slice %arg4[%mul3A_2, %dma_wait3A_129] : memref<8192x4096xf32, #tpu.memory_space<hbm>> -> memref<8x4096xf32, #tpu.memory_space<hbm>>
    %dma_wait3A_131 = arith.constant 0 : i32
    %dma_wait3A_132 = tpu.memref_slice %arg4[%mul3A_2, %dma_wait3A_131] : memref<8192x4096xf32, #tpu.memory_space<hbm>> -> memref<8x4096xf32, #tpu.memory_space<hbm>>
    tpu.wait_dma2 semaphore(%arg12 : memref<!tpu.dma_semaphore, #tpu.memory_space<semaphore_mem>>) src(%arg6 : memref<8x4096xf32, #tpu.memory_space<vmem>>) dst(%dma_wait3A_132 : memref<8x4096xf32, #tpu.memory_space<hbm>>)
    %dma_wait3A_133 = arith.constant 0 : i32
    %dma_wait3A_134 = tpu.memref_slice %arg4[%mul3A_2, %dma_wait3A_133] : memref<8192x4096xf32, #tpu.memory_space<hbm>> -> memref<8x4096xf32, #tpu.memory_space<hbm>>
    %dma_wait3A_135 = arith.constant 0 : i32
    %dma_wait3A_136 = tpu.memref_slice %arg4[%mul3A_2, %dma_wait3A_135] : memref<8192x4096xf32, #tpu.memory_space<hbm>> -> memref<8x4096xf32, #tpu.memory_space<hbm>>
    tpu.wait_dma2 semaphore(%arg13 : memref<!tpu.dma_semaphore, #tpu.memory_space<semaphore_mem>>) src(%arg7 : memref<8x4096xf32, #tpu.memory_space<vmem>>) dst(%dma_wait3A_136 : memref<8x4096xf32, #tpu.memory_space<hbm>>)
    %dma_wait3A_137 = arith.constant 0 : i32
    %dma_wait3A_138 = tpu.memref_slice %arg4[%mul3A_2, %dma_wait3A_137] : memref<8192x4096xf32, #tpu.memory_space<hbm>> -> memref<8x4096xf32, #tpu.memory_space<hbm>>
    %dma_wait3A_139 = arith.constant 0 : i32
    %dma_wait3A_140 = tpu.memref_slice %arg4[%mul3A_2, %dma_wait3A_139] : memref<8192x4096xf32, #tpu.memory_space<hbm>> -> memref<8x4096xf32, #tpu.memory_space<hbm>>
    tpu.wait_dma2 semaphore(%arg14 : memref<!tpu.dma_semaphore, #tpu.memory_space<semaphore_mem>>) src(%arg8 : memref<8x4096xf32, #tpu.memory_space<vmem>>) dst(%dma_wait3A_140 : memref<8x4096xf32, #tpu.memory_space<hbm>>)
    return
  }
}

</mosaic_0001>

<sc_bundles>
// kernel: kernel.3.cloned.1.call-start
scs
__scs_entry_jumppad:
0x0: {  	(pc) =	sbr.rel $0x88, $3  }
0x1: {  	(tag) =	ssettag $0x0;
	lr =	simm.s32 $0x1  }
0x2: {  	[smem:$0x3F9F] =	sst lr;
	_ =	strace $0xD0000000  }
0x3: {  	_ = 	snop  }
0x4: {  	_ = 	snop  }
0x5: {  	_ = 	snop  }
0x6: {  	_ = 	snop  }
0x7: {  	_ = 	snop  }
__scs_overlays_trampoline_lowered:
0x8: {  	[smem:$0x3FAE] =	sst s0  }
0x9: {  	[smem:$0x3FAF] =	sst s1  }
0xa: {  	[smem:$0x3FB0] =	sst s2  }
0xb: {  	[smem:$0x3FB1] =	sst s3  }
0xc: {  	[smem:$0x3FB2] =	sst s4  }
0xd: {  	[smem:$0x3FB3] =	sst s5  }
0xe: {  	[smem:$0x3FB4] =	sst s6  }
0xf: {  	[smem:$0x3FB5] =	sst s7  }
0x10: {  	[smem:$0x3FB6] =	sst s8  }
0x11: {  	[smem:$0x3FB7] =	sst s9;
	s0 =	simm.s32 @!p0 $0x0  }
0x12: {  	s1 =	sld [smem:$0x3F9D];
	s0 =	simm.s32 @p0 $0x1  }
0x13: {  	[smem:$0x3FB8] =	sst s0;
	s0 =	simm.s32 @!p1 $0x0  }
0x14: {  	s2 =	sld [smem:$0x3F9C];
	s0 =	simm.s32 @p1 $0x1  }
0x15: {  	[smem:$0x3FB9] =	sst s0;
	s0 =	simm.s32 @!p2 $0x0  }
0x16: {  	s3 =	sld [smem:$0x3FDB];
	s0 =	simm.s32 @p2 $0x1  }
0x17: {  	s4 =	simm.s32 $0x1BF5;
	[smem:$0x3FBB] =	sst s0  }
0x18: {  	s0 =	sld [smem:$0x3F9E];
	_ =	swait.ge [sflag:s4], $0x0  }
0x19: {  	s7 =	sld [smem:$0x3F9F]  }
0x1a: {  	s8 =	sadd.s32 $0xFFFFE003, lr  }
0x1b: {  	s9 =	sadd.s32 $0xFFFFFEF7, lr;
	s5 =	simm.s32 $0xFFFFFFFF;
	p2 =	slt.u32 s8, $0xFFFFF086  }
0x1c: {  	p1 =	slt.u32 s9, $0xF7A;
	s5 =	simm.s32 @!p2 $0x0  }
0x1d: {  	s5 =	simm.s32 @p1 $0x1;
	p0 =	seq.s32 s7, s2  }
0x1e: {  	s7 =	smul.u32 @!p0 $0xF7A, s2;
	p2 =	seq.s32 @!p0 s5, $0x0  }
0x1f: {  	s9 =	smul.u32 $0xF7A, s1;
	s8 =	simm.s32 @!p0 $0x1BF5;
	p2 =	por !p2, p0  }
0x20: {  	[sflag:s8] =	ssyncset.s32 @!p0 $0xFFFFF086;
	s6 =	sadd.s32 @!p0 s3, s7;
	s7 =	simm.s32 @!p0 $0x108  }
0x21: {  	s3 =	sadd.s32 s3, s9;
	s6 =	sadd.s32 @!p0 $0x88, s6;
	s7 =	simm.s32 @p2 $0x1082  }
0x22: {  	[simem:s7], [sflag:s8] =	dma.local @!p0 [hbm:s6], $0xF7A  }
0x23: {  	s9 =	sor.u32 $0xD0000000, s2;
	s6 =	simm.s32 $0x108;
	_ =	swait.ge @!p0 [sflag:s8], $0x0  }
0x24: {  	s3 =	sadd.s32 $0x88, s3;
	s6 =	simm.s32 @!p1 $0x1082;
	[sflag:s4] =	ssyncset.s32 $0xFFFFF086  }
0x25: {  	[simem:s6], [sflag:s4] =	dma.local [hbm:s3], $0xF7A  }
0x26: {  	[smem:$0x3F9F] =	sst s1;
	(tag) =	ssettag s2;
	_ =	strace s9  }
0x27: {  	s1 =	sld [smem:$0x3FAF]  }
0x28: {  	s2 =	sld [smem:$0x3FB0]  }
0x29: {  	s4 =	sld [smem:$0x3FB2]  }
0x2a: {  	p0 =	seq.s32 s5, $0x0;
	s5 =	sld [smem:$0x3FB3]  }
0x2b: {  	s6 =	sld [smem:$0x3FB4]  }
0x2c: {  	s7 =	sld [smem:$0x3FB5]  }
0x2d: {  	s3 =	simm.s32 $0x108;
	s8 =	sld [smem:$0x3FB6]  }
0x2e: {  	s3 =	simm.s32 @!p0 $0x1082;
	s9 =	sld [smem:$0x3FB7]  }
0x2f: {  	lr =	sadd.s32 s0, s3;
	s0 =	sld [smem:$0x3FAE]  }
0x30: {  	s3 =	sld [smem:$0x3FB1]  }
0x31: {  	[smem:$0x3FBA] =	sst s10  }
0x32: {  	s10 =	sld [smem:$0x3FB8];
	_ =	sdelay $0x3  }
0x33: {  	p0 =	seq.s32 s10, $0x1;
	s10 =	sld [smem:$0x3FBA];
	_ =	sdelay $0x3  }
0x34: {  	[smem:$0x3FBA] =	sst s10  }
0x35: {  	s10 =	sld [smem:$0x3FB9];
	_ =	sdelay $0x3  }
0x36: {  	p1 =	seq.s32 s10, $0x1;
	s10 =	sld [smem:$0x3FBA];
	_ =	sdelay $0x3  }
0x37: {  	[smem:$0x3FBA] =	sst s10  }
0x38: {  	s10 =	sld [smem:$0x3FBB]  }
0x39: {  	_ = 	snop;
	(pc) =	sbr.ind lr, $3  }
0x3a: {  	_ = 	snop  }
0x3b: {  	_ = 	snop  }
0x3c: {  	p2 =	seq.s32 s10, $0x1;
	s10 =	sld [smem:$0x3FBA]  }
0x3d: {  	_ =	shalt  }
0x3e: {  	_ =	shalt  }
0x3f: {  	_ =	shalt  }
0x40: {  	_ =	shalt  }
0x41: {  	_ =	shalt  }
0x42: {  	_ =	shalt  }
0x43: {  	_ =	shalt  }
0x44: {  	_ =	shalt  }
0x45: {  	_ =	shalt  }
0x46: {  	_ =	shalt  }
0x47: {  	_ =	shalt  }
0x48: {  	_ =	shalt  }
0x49: {  	_ =	shalt  }
0x4a: {  	_ =	shalt  }
0x4b: {  	_ =	shalt  }
0x4c: {  	_ =	shalt  }
0x4d: {  	_ =	shalt  }
0x4e: {  	_ =	shalt  }
0x4f: {  	_ =	shalt  }
0x50: {  	_ =	shalt  }
0x51: {  	_ =	shalt  }
0x52: {  	_ =	shalt  }
0x53: {  	_ =	shalt  }
0x54: {  	_ =	shalt  }
0x55: {  	_ =	shalt  }
0x56: {  	_ =	shalt  }
0x57: {  	_ =	shalt  }
0x58: {  	_ =	shalt  }
0x59: {  	_ =	shalt  }
0x5a: {  	_ =	shalt  }
0x5b: {  	_ =	shalt  }
0x5c: {  	_ =	shalt  }
0x5d: {  	_ =	shalt  }
0x5e: {  	_ =	shalt  }
0x5f: {  	_ =	shalt  }
0x60: {  	_ =	shalt  }
0x61: {  	_ =	shalt  }
0x62: {  	_ =	shalt  }
0x63: {  	_ =	shalt  }
0x64: {  	_ =	shalt  }
0x65: {  	_ =	shalt  }
0x66: {  	_ =	shalt  }
0x67: {  	_ =	shalt  }
0x68: {  	_ =	shalt  }
0x69: {  	_ =	shalt  }
0x6a: {  	_ =	shalt  }
0x6b: {  	_ =	shalt  }
0x6c: {  	_ =	shalt  }
0x6d: {  	_ =	shalt  }
0x6e: {  	_ =	shalt  }
0x6f: {  	_ =	shalt  }
0x70: {  	_ =	shalt  }
0x71: {  	_ =	shalt  }
0x72: {  	_ =	shalt  }
0x73: {  	_ =	shalt  }
0x74: {  	_ =	shalt  }
0x75: {  	_ =	shalt  }
0x76: {  	_ =	shalt  }
0x77: {  	_ =	shalt  }
0x78: {  	_ =	shalt  }
0x79: {  	_ =	shalt  }
0x7a: {  	_ =	shalt  }
0x7b: {  	_ =	shalt  }
0x7c: {  	_ =	shalt  }
0x7d: {  	_ =	shalt  }
0x7e: {  	_ =	shalt  }
0x7f: {  	_ =	shalt  }
0x80: {  	_ =	shalt  }
0x81: {  	_ =	shalt  }
0x82: {  	_ =	shalt  }
0x83: {  	_ =	shalt  }
0x84: {  	_ =	shalt  }
0x85: {  	_ =	shalt  }
0x86: {  	_ =	shalt  }
0x87: {  	_ =	shalt  }
.Lfunc_end0:
.L_simem_size_0:
called_computation_lowered:
.L_overlay_start_0:
0x88: {  	s2 =	sld [smem:$0x3FD9]  }
0x89: {  	s3 =	sld [smem:$0x3FFE];
	_ =	sdelay $0x1  }
0x8a: {  	s1 =	srdreg.scid  }
0x8b: {  	s0 =	sand.u32 $0x1, s1  }
0x8c: {  	s18 =	sshll.u32 s0, $0xA;
	s2 =	sadd.s32 s3, s2  }
0x8d: {  	s2 =	sadd.s32 s2, s18  }
0x8e: {  	[smem:$0x3FC6] =	sst s2  }
0x8f: {  	_ = 	snop  }
0x90: {  	s2 =	sld [smem:$0x3FC9]  }
0x91: {  	s19 =	sld [smem:$0x3FC8]  }
0x92: {  	s4 =	sld [smem:$0x3FD0];
	(tm) =	ssettm $0x1  }
0x93: {  	s5 =	sld [smem:$0x3FFB];
	_ =	sdelay $0x3  }
0x94: {  	_ =	strace s5  }
0x95: {  	s5 =	sld [smem:$0x3FFC];
	_ =	sdelay $0x3  }
0x96: {  	_ =	strace s5  }
0x97: {  	s5 =	sld [smem:$0x3FFD];
	_ =	sdelay $0x3  }
0x98: {  	_ =	strace s5  }
0x99: {  	_ =	strace $0x8FFFFFFF  }
0x9a: {  	s20 =	sld [smem:$0x3FDB];
	_ =	sdelay $0x1  }
0x9b: {  	s6 =	simm.s32 $_scs_section_size  }
0x9c: {  	s7 =	simm.s32 $_size__tile_overlayer_lowered;
	s8 =	simm.s32 $_tile_overlayer_lowered  }
0x9d: {  	s23 =	simm.s32 $0x1BFF;
	s22 =	sshll.u32 s8, $0x1;
	s5 =	sadd.s32 s6, s20  }
0x9e: {  	s9 =	simm.s32 $0x0;
	s21 =	sshll.u32 s7, $0x1;
	s7 =	sadd.s32 s22, s5  }
0x9f: {  	[timem:s9], [sflag:s23] =	dma.local [hbm:s7], s21  }
0xa0: {  	_ =	swait.ge [sflag:s23], s21  }
0xa1: {  	s6 =	ssub.s32 $0x0, s21;
	[sflag:s23] =	ssyncset.done $0x0  }
0xa2: {  	[sflag:s23] =	ssyncadd.s32 s6;
	_ =	sdelay $0x1  }
0xa3: {  	s24 =	simm.s32 $0x1B8B  }
0xa4: {  	_ =	swait.ge [sflag:s24], $0x1  }
0xa5: {  	[sflag:s24] =	ssyncset.done $0x0  }
0xa6: {  	s25 =	simm.s32 $0x1B8E;
	[sflag:s24] =	ssyncadd.s32 $0xFFFFFFFF  }
0xa7: {  	s26 =	simm.s32 $execute0_lowered;
	[smem:$0x3FD2] =	sst s25  }
0xa8: {  	s6 =	sshll.u32 s26, $0x1;
	_ =	strace $0x80000046;
	[dreg:$0x1] =	wrdreg $0xFFFFFFFF  }
0xa9: {  	s28 =	simm.s32 $_size_execute0_lowered;
	s5 =	sadd.s32 s5, s6;
	[dreg:$0x0] =	wrdreg $0x0  }
0xaa: {  	s6 =	sshll.u32 s28, $0x1;
	[dreg:$0x2] =	wrdreg s5  }
0xab: {  	[dreg:$0x3] =	wrdreg s6  }
0xac: {  	[dreg:$0x4] =	wrdreg $0xC0  }
0xad: {  	_ =	task [dreg:s9], $0x5FFFF  }
0xae: {  	[dreg:$0x1] =	wrdreg $0xFFFFFFFF  }
0xaf: {  	[dreg:$0x0] =	wrdreg $0x60  }
0xb0: {  	[dreg:$0x2] =	wrdreg s2  }
0xb1: {  	[dreg:$0x3] =	wrdreg s19  }
0xb2: {  	[dreg:$0x4] =	wrdreg s4  }
0xb3: {  	[dreg:$0x5] =	wrdreg $0x9  }
0xb4: {  	_ =	task.clear_ibuf [dreg:s9], $0x6FFFF;
	_ =	strace $0x90000046  }
0xb5: {  	s29 =	simm.s32 $0x9;
	_ =	strace $0x80000048  }
0xb6: {  	_ =	swait.ge [sflag:s29], $0x1  }
0xb7: {  	[sflag:s29] =	ssyncadd.s32 $0xFFFFFFFF  }
0xb8: {  	_ =	strace $0x90000048  }
0xb9: {  	_ =	sfence  }
0xba: {  	s30 =	sld [smem:$0x0];
	_ =	sdelay $0x2  }
0xbb: {  	s31 =	sshll.u32 s1, $0xD;
	s1 =	sshrl.u32 s1, $0x2  }
0xbc: {  	s3 =	sand.u32 $0x4000, s31;
	s1 =	sadd.s32 s1, s30  }
0xbd: {  	s0 =	sor.u32 s3, s0;
	s1 =	sshll.u32 s1, $0x11  }
0xbe: {  	s0 =	sor.u32 s1, s0  }
0xbf: {  	s0 =	sadd.s32 $0x8F2B, s0  }
0xc0: {  	[sflag:s0] =	ssyncadd.remote.s32 $0x1  }
0xc1: {  	_ =	sfence.sel $0xFFFF  }
0xc2: {  	[dreg:$0x0] =	wrdreg $0xFFFFFFFF;
	(pc) =	sbr.abs _section_cstart, $3  }
0xc3: {  	[dreg:$0x1] =	wrdreg $0xFFFFFFFF  }
0xc4: {  	_ =	task.clear_ibuf [dreg:s9], $0x2FFFF;
	_ =	strace $0x9FFFFFFF  }
0xc5: {  	(tm) =	ssettm $0x7FFFFFFF  }
tec
execute0_lowered:
.L_overlay_start_1:
0x0: {  	(tag) =	ssettag $0x1  }
0x1: {  	s0 =	rddreg [dreg:$0x0]  }
0x2: {  	s1 =	rddreg [dreg:$0x1]  }
0x3: {  	s2 =	rddreg [dreg:$0x2]  }
0x4: {  	s3 =	simm.s32 $0x0;
	s4 =	srdreg.scid;
	s20 =	stileid.u32  }
0x5: {  	s28 =	simm.s32 $0x12100;
	s30 =	simm.s32 $0x17100;
	s29 =	simm.s32 $0x2  }
0x6: {  	s31 =	simm.s32 $0x5;
	[smem:$0x7FF] =	sst s3;
	s4 =	sand.u32 $0x1, s4  }
0x7: {  	s5 =	sshll.u32 s20, $0x1;
	s22 =	sshll.u32 s20, $0x2;
	s9 =	sadd.s32 $0x500, s1  }
0x8: {  	s10 =	sadd.s32 $0x600, s1;
	s11 =	sadd.s32 $0x700, s1;
	s12 =	sadd.s32 $0x800, s1  }
0x9: {  	s13 =	sadd.s32 $0x900, s1;
	s14 =	sadd.s32 $0xA00, s1;
	s15 =	sadd.s32 $0xB00, s1  }
0xa: {  	s16 =	sadd.s32 $0xC00, s1;
	s17 =	sadd.s32 $0xD00, s1;
	s18 =	sadd.s32 $0xE00, s1  }
0xb: {  	s24 =	sshll.u32 s20, $0x12;
	s20 =	sadd.s32 $0xF00, s1;
	_ =	strace $0x80000047  }
0xc: {  	s19 =	sor.u32 s4, s5;
	s6 =	ssub.s32 $0x2, s4;
	s5 =	sand.u32 $0x30, s22  }
0xd: {  	s25 =	sadd.s32 s24, s2;
	s26 =	sshll.u32 s4, $0x11;
	s4 =	simm.s32 $0x4  }
0xe: {  	s7 =	sshll.u32 s19, $0x7;
	s8 =	sshrl.u32 s6, $0x1;
	s0 =	sadd.s32 s0, s5  }
0xf: {  	s5 =	sadd.s32 $0x100, s1;
	s23 =	sshll.u32 s19, $0x11;
	s7 =	sand.u32 $0x380, s7  }
0x10: {  	s21 =	ssub.s32 s6, s8;
	s6 =	sadd.s32 $0x200, s1;
	s22 =	sadd.s32 s2, s23  }
0x11: {  	s8 =	sadd.s32 $0x400, s1;
	s0 =	sadd.s32 s7, s0;
	[dreg:$0x6] =	wrdreg s22  }
0x12: {  	s2 =	simm.s32 $0x8100;
	s19 =	sadd.s32 $0x1C000, s22;
	[dreg:$0x5] =	wrdreg s0  }
0x13: {  	s7 =	sadd.s32 $0x300, s1;
	s23 =	sadd.s32 $0x1D000, s22;
	[dreg:$0x7] =	wrdreg s19  }
0x14: {  	s24 =	sadd.s32 $0x1E000, s22;
	s1 =	simm.s32 $0x0;
	[dreg:$0x8] =	wrdreg s23  }
0x15: {  	s0 =	sadd.s32 s26, s25;
	[dreg:$0x9] =	wrdreg s24;
	s25 =	sadd.s32 $0x1F000, s22  }
0x16: {  	v0 =	vlaneseq.u32;
	s26 =	smax.u32 s21, $0x1;
	s21 =	simm.s32 $0x1;
	[dreg:$0x4] =	wrdreg s0  }
0x17: {  	v1 =	vshrl.u32 v0, $0x3;
	s22 =	simm.s32 $0x10100;
	s23 =	simm.s32 $0x6;
	[dreg:$0xa] =	wrdreg s25  }
0x18: {  	vm0 =	vmmov $0xffff;
	v0 =	vand.u32 $0x7, v0;
	v1 =	vmul.u32 $0x8, v1;
	[dreg:$0xb] =	wrdreg s26;
	s26 =	simm.s32 $0x10900;
	s25 =	simm.s32 $0x3  }
.LBB2_1:
0x19: {  	s0 =	rddreg [dreg:$0x5];
	s19 =	simm.s32 $0x80;
	s24 =	simm.s32 $0x200  }
0x1a: {  	[tilespmem:s3], [sflag:$0x7] =	stream.strided.gather [hbm4b:s0+s19], $0x100, s24, s19, $0x38;
	[tilespmem:$0x18100] =	vst v63  }
0x1b: {  	[dreg:$0xc] =	wrdreg s1;
	s19 =	simm.s32 $0x7  }
0x1c: {  	_ =	swait.ge [sflag:s19], $0x100  }
0x1d: {  	[sflag:s19] =	ssyncset.done $0x0  }
0x1e: {  	[sflag:s19] =	ssyncadd.s32 $0xFFFFFF00  }
0x1f: {  	v2 =	vld.msk [tilespmem:$0x0], $0xff;
	_ =	sdelay $0x4  }
0x20: {  	v3 =	vshll.u32 v2, $0x5  }
0x21: {  	v2 =	vand.u32 $0x7, v2;
	v3 =	vand.u32 $0xFFFFFF00, v3  }
0x22: {  	v2 =	vor.u32 v2, v3  }
0x23: {  	v2 =	vperm.xlane v2, v0;
	_ =	sdelay $0x1  }
0x24: {  	v2 =	vadd.s32 v1, v2;
	_ =	sdelay $0x3  }
0x25: {  	s19 =	simm.s32 $0x100;
	s1 =	rddreg [dreg:$0x1]  }
0x26: {  	[tilespmem:s19], [sflag:$0x1] =	stream.indirect_vreg.gather [hbm4b:s1+s3], $0x80, v2, vm0, $0xb8;
	[tilespmem:$0x18100] =	vst v63  }
0x27: {  	s24 =	simm.s32 $0x900  }
0x28: {  	[tilespmem:s24], [sflag:$0x1] =	stream.indirect_vreg.gather [hbm4b:s5+s3], $0x80, v2, vm0, $0xb8;
	[tilespmem:$0x18100] =	vst v63  }
0x29: {  	s24 =	simm.s32 $0x1100  }
0x2a: {  	[tilespmem:s24], [sflag:$0x1] =	stream.indirect_vreg.gather [hbm4b:s6+s3], $0x80, v2, vm0, $0xb8;
	[tilespmem:$0x18100] =	vst v63  }
0x2b: {  	s24 =	simm.s32 $0x1900  }
0x2c: {  	[tilespmem:s24], [sflag:$0x1] =	stream.indirect_vreg.gather [hbm4b:s7+s3], $0x80, v2, vm0, $0xb8;
	[tilespmem:$0x18100] =	vst v63  }
0x2d: {  	s24 =	simm.s32 $0x2100  }
0x2e: {  	[tilespmem:s24], [sflag:$0x1] =	stream.indirect_vreg.gather [hbm4b:s8+s3], $0x80, v2, vm0, $0xb8;
	[tilespmem:$0x18100] =	vst v63  }
0x2f: {  	s24 =	simm.s32 $0x2900  }
0x30: {  	[tilespmem:s24], [sflag:$0x1] =	stream.indirect_vreg.gather [hbm4b:s9+s3], $0x80, v2, vm0, $0xb8;
	[tilespmem:$0x18100] =	vst v63  }
0x31: {  	s24 =	simm.s32 $0x3100  }
0x32: {  	[tilespmem:s24], [sflag:$0x1] =	stream.indirect_vreg.gather [hbm4b:s10+s3], $0x80, v2, vm0, $0xb8;
	[tilespmem:$0x18100] =	vst v63  }
0x33: {  	s24 =	simm.s32 $0x3900  }
0x34: {  	[tilespmem:s24], [sflag:$0x1] =	stream.indirect_vreg.gather [hbm4b:s11+s3], $0x80, v2, vm0, $0xb8;
	[tilespmem:$0x18100] =	vst v63  }
0x35: {  	s24 =	simm.s32 $0x4100  }
0x36: {  	[tilespmem:s24], [sflag:$0x1] =	stream.indirect_vreg.gather [hbm4b:s12+s3], $0x80, v2, vm0, $0xb8;
	[tilespmem:$0x18100] =	vst v63  }
0x37: {  	s24 =	simm.s32 $0x4900  }
0x38: {  	[tilespmem:s24], [sflag:$0x1] =	stream.indirect_vreg.gather [hbm4b:s13+s3], $0x80, v2, vm0, $0xb8;
	[tilespmem:$0x18100] =	vst v63  }
0x39: {  	s24 =	simm.s32 $0x5100  }
0x3a: {  	[tilespmem:s24], [sflag:$0x1] =	stream.indirect_vreg.gather [hbm4b:s14+s3], $0x80, v2, vm0, $0xb8;
	[tilespmem:$0x18100] =	vst v63  }
0x3b: {  	s24 =	simm.s32 $0x5900  }
0x3c: {  	[tilespmem:s24], [sflag:$0x1] =	stream.indirect_vreg.gather [hbm4b:s15+s3], $0x80, v2, vm0, $0xb8;
	[tilespmem:$0x18100] =	vst v63  }
0x3d: {  	s24 =	simm.s32 $0x6100  }
0x3e: {  	[tilespmem:s24], [sflag:$0x1] =	stream.indirect_vreg.gather [hbm4b:s16+s3], $0x80, v2, vm0, $0xb8;
	[tilespmem:$0x18100] =	vst v63  }
0x3f: {  	s24 =	simm.s32 $0x6900  }
0x40: {  	[tilespmem:s24], [sflag:$0x1] =	stream.indirect_vreg.gather [hbm4b:s17+s3], $0x80, v2, vm0, $0xb8;
	[tilespmem:$0x18100] =	vst v63  }
0x41: {  	s24 =	simm.s32 $0x7100  }
0x42: {  	[tilespmem:s24], [sflag:$0x1] =	stream.indirect_vreg.gather [hbm4b:s18+s3], $0x80, v2, vm0, $0xb8;
	[tilespmem:$0x18100] =	vst v63  }
0x43: {  	s24 =	simm.s32 $0x7900  }
0x44: {  	[tilespmem:s24], [sflag:$0x1] =	stream.indirect_vreg.gather [hbm4b:s20+s3], $0x80, v2, vm0, $0xb8;
	[tilespmem:$0x18100] =	vst v63  }
0x45: {  	v2 =	vld.msk [tilespmem:$0x8], $0xff;
	_ =	sdelay $0x4  }
0x46: {  	v3 =	vshll.u32 v2, $0x5  }
0x47: {  	v2 =	vand.u32 $0x7, v2;
	v3 =	vand.u32 $0xFFFFFF00, v3  }
0x48: {  	v2 =	vor.u32 v2, v3  }
0x49: {  	v2 =	vperm.xlane v2, v0;
	_ =	sdelay $0x1  }
0x4a: {  	v2 =	vadd.s32 v1, v2;
	_ =	sdelay $0x4  }
0x4b: {  	[tilespmem:s2], [sflag:$0x2] =	stream.indirect_vreg.gather [hbm4b:s1+s3], $0x80, v2, vm0, $0xb8;
	[tilespmem:$0x18100] =	vst v63  }
0x4c: {  	s24 =	simm.s32 $0x8900  }
0x4d: {  	[tilespmem:s24], [sflag:$0x2] =	stream.indirect_vreg.gather [hbm4b:s5+s3], $0x80, v2, vm0, $0xb8;
	[tilespmem:$0x18100] =	vst v63  }
0x4e: {  	s2 =	simm.s32 $0x9100  }
0x4f: {  	[tilespmem:s2], [sflag:$0x2] =	stream.indirect_vreg.gather [hbm4b:s6+s3], $0x80, v2, vm0, $0xb8;
	[tilespmem:$0x18100] =	vst v63  }
0x50: {  	s24 =	simm.s32 $0x9900  }
0x51: {  	[tilespmem:s24], [sflag:$0x2] =	stream.indirect_vreg.gather [hbm4b:s7+s3], $0x80, v2, vm0, $0xb8;
	[tilespmem:$0x18100] =	vst v63  }
0x52: {  	s2 =	simm.s32 $0xA100  }
0x53: {  	[tilespmem:s2], [sflag:$0x2] =	stream.indirect_vreg.gather [hbm4b:s8+s3], $0x80, v2, vm0, $0xb8;
	[tilespmem:$0x18100] =	vst v63  }
0x54: {  	s24 =	simm.s32 $0xA900  }
0x55: {  	[tilespmem:s24], [sflag:$0x2] =	stream.indirect_vreg.gather [hbm4b:s9+s3], $0x80, v2, vm0, $0xb8;
	[tilespmem:$0x18100] =	vst v63  }
0x56: {  	s2 =	simm.s32 $0xB100  }
0x57: {  	[tilespmem:s2], [sflag:$0x2] =	stream.indirect_vreg.gather [hbm4b:s10+s3], $0x80, v2, vm0, $0xb8;
	[tilespmem:$0x18100] =	vst v63  }
0x58: {  	s24 =	simm.s32 $0xB900  }
0x59: {  	[tilespmem:s24], [sflag:$0x2] =	stream.indirect_vreg.gather [hbm4b:s11+s3], $0x80, v2, vm0, $0xb8;
	[tilespmem:$0x18100] =	vst v63  }
0x5a: {  	s2 =	simm.s32 $0xC100  }
0x5b: {  	[tilespmem:s2], [sflag:$0x2] =	stream.indirect_vreg.gather [hbm4b:s12+s3], $0x80, v2, vm0, $0xb8;
	[tilespmem:$0x18100] =	vst v63  }
0x5c: {  	s24 =	simm.s32 $0xC900  }
0x5d: {  	[tilespmem:s24], [sflag:$0x2] =	stream.indirect_vreg.gather [hbm4b:s13+s3], $0x80, v2, vm0, $0xb8;
	[tilespmem:$0x18100] =	vst v63  }
0x5e: {  	s2 =	simm.s32 $0xD100  }
0x5f: {  	[tilespmem:s2], [sflag:$0x2] =	stream.indirect_vreg.gather [hbm4b:s14+s3], $0x80, v2, vm0, $0xb8;
	[tilespmem:$0x18100] =	vst v63  }
0x60: {  	s24 =	simm.s32 $0xD900  }
0x61: {  	[tilespmem:s24], [sflag:$0x2] =	stream.indirect_vreg.gather [hbm4b:s15+s3], $0x80, v2, vm0, $0xb8;
	[tilespmem:$0x18100] =	vst v63  }
0x62: {  	s2 =	simm.s32 $0xE100  }
0x63: {  	[tilespmem:s2], [sflag:$0x2] =	stream.indirect_vreg.gather [hbm4b:s16+s3], $0x80, v2, vm0, $0xb8;
	[tilespmem:$0x18100] =	vst v63  }
0x64: {  	s24 =	simm.s32 $0xE900  }
0x65: {  	[tilespmem:s24], [sflag:$0x2] =	stream.indirect_vreg.gather [hbm4b:s17+s3], $0x80, v2, vm0, $0xb8;
	[tilespmem:$0x18100] =	vst v63  }
0x66: {  	s2 =	simm.s32 $0xF100  }
0x67: {  	[tilespmem:s2], [sflag:$0x2] =	stream.indirect_vreg.gather [hbm4b:s18+s3], $0x80, v2, vm0, $0xb8;
	[tilespmem:$0x18100] =	vst v63  }
0x68: {  	s24 =	simm.s32 $0xF900  }
0x69: {  	[tilespmem:s24], [sflag:$0x2] =	stream.indirect_vreg.gather [hbm4b:s20+s3], $0x80, v2, vm0, $0xb8;
	[tilespmem:$0x18100] =	vst v63  }
0x6a: {  	_ =	swait.ge [sflag:s21], $0x8000  }
0x6b: {  	[sflag:s21] =	ssyncset.done $0x0  }
0x6c: {  	s2 =	rddreg [dreg:$0x6];
	[sflag:s21] =	ssyncadd.s32 $0xFFFF8000  }
0x6d: {  	[hbm4b:s2+s3] =	stream.linear.scatter [tilespmem:s19], [sflag:$0x4], $0x8000, $0x38;
	[tilespmem:$0x18100] =	vst v63  }
0x6e: {  	v2 =	vld.msk [tilespmem:$0x10], $0xff;
	_ =	sdelay $0x4  }
0x6f: {  	v3 =	vshll.u32 v2, $0x5  }
0x70: {  	v2 =	vand.u32 $0x7, v2;
	v3 =	vand.u32 $0xFFFFFF00, v3  }
0x71: {  	v2 =	vor.u32 v2, v3  }
0x72: {  	v2 =	vperm.xlane v2, v0;
	_ =	sdelay $0x1  }
0x73: {  	v2 =	vadd.s32 v1, v2;
	_ =	sdelay $0x4  }
0x74: {  	[tilespmem:s22], [sflag:$0x3] =	stream.indirect_vreg.gather [hbm4b:s1+s3], $0x80, v2, vm0, $0xb8;
	[tilespmem:$0x18100] =	vst v63  }
0x75: {  	_ = 	snop  }
0x76: {  	[tilespmem:s26], [sflag:$0x3] =	stream.indirect_vreg.gather [hbm4b:s5+s3], $0x80, v2, vm0, $0xb8;
	[tilespmem:$0x18100] =	vst v63  }
0x77: {  	s22 =	simm.s32 $0x11100  }
0x78: {  	[tilespmem:s22], [sflag:$0x3] =	stream.indirect_vreg.gather [hbm4b:s6+s3], $0x80, v2, vm0, $0xb8;
	[tilespmem:$0x18100] =	vst v63  }
0x79: {  	s24 =	simm.s32 $0x11900  }
0x7a: {  	[tilespmem:s24], [sflag:$0x3] =	stream.indirect_vreg.gather [hbm4b:s7+s3], $0x80, v2, vm0, $0xb8;
	[tilespmem:$0x18100] =	vst v63  }
0x7b: {  	_ = 	snop  }
0x7c: {  	[tilespmem:s28], [sflag:$0x3] =	stream.indirect_vreg.gather [hbm4b:s8+s3], $0x80, v2, vm0, $0xb8;
	[tilespmem:$0x18100] =	vst v63  }
0x7d: {  	s26 =	simm.s32 $0x12900  }
0x7e: {  	[tilespmem:s26], [sflag:$0x3] =	stream.indirect_vreg.gather [hbm4b:s9+s3], $0x80, v2, vm0, $0xb8;
	[tilespmem:$0x18100] =	vst v63  }
0x7f: {  	s28 =	simm.s32 $0x13100  }
0x80: {  	[tilespmem:s28], [sflag:$0x3] =	stream.indirect_vreg.gather [hbm4b:s10+s3], $0x80, v2, vm0, $0xb8;
	[tilespmem:$0x18100] =	vst v63  }
0x81: {  	s1 =	simm.s32 $0x13900  }
0x82: {  	[tilespmem:s1], [sflag:$0x3] =	stream.indirect_vreg.gather [hbm4b:s11+s3], $0x80, v2, vm0, $0xb8;
	[tilespmem:$0x18100] =	vst v63  }
0x83: {  	s2 =	simm.s32 $0x14100  }
0x84: {  	[tilespmem:s2], [sflag:$0x3] =	stream.indirect_vreg.gather [hbm4b:s12+s3], $0x80, v2, vm0, $0xb8;
	[tilespmem:$0x18100] =	vst v63  }
0x85: {  	s19 =	simm.s32 $0x14900  }
0x86: {  	[tilespmem:s19], [sflag:$0x3] =	stream.indirect_vreg.gather [hbm4b:s13+s3], $0x80, v2, vm0, $0xb8;
	[tilespmem:$0x18100] =	vst v63  }
0x87: {  	s22 =	simm.s32 $0x15100  }
0x88: {  	[tilespmem:s22], [sflag:$0x3] =	stream.indirect_vreg.gather [hbm4b:s14+s3], $0x80, v2, vm0, $0xb8;
	[tilespmem:$0x18100] =	vst v63  }
0x89: {  	s24 =	simm.s32 $0x15900  }
0x8a: {  	[tilespmem:s24], [sflag:$0x3] =	stream.indirect_vreg.gather [hbm4b:s15+s3], $0x80, v2, vm0, $0xb8;
	[tilespmem:$0x18100] =	vst v63  }
0x8b: {  	s26 =	simm.s32 $0x16100  }
0x8c: {  	[tilespmem:s26], [sflag:$0x3] =	stream.indirect_vreg.gather [hbm4b:s16+s3], $0x80, v2, vm0, $0xb8;
	[tilespmem:$0x18100] =	vst v63  }
0x8d: {  	s28 =	simm.s32 $0x16900  }
0x8e: {  	[tilespmem:s28], [sflag:$0x3] =	stream.indirect_vreg.gather [hbm4b:s17+s3], $0x80, v2, vm0, $0xb8;
	[tilespmem:$0x18100] =	vst v63  }
0x8f: {  	_ = 	snop  }
0x90: {  	[tilespmem:s30], [sflag:$0x3] =	stream.indirect_vreg.gather [hbm4b:s18+s3], $0x80, v2, vm0, $0xb8;
	[tilespmem:$0x18100] =	vst v63  }
0x91: {  	s0 =	simm.s32 $0x28;
	s1 =	simm.s32 $0x17900;
	s19 =	simm.s32 $0x0  }
0x92: {  	[tilespmem:s1], [sflag:$0x3] =	stream.indirect_vreg.gather [hbm4b:s20+s3], $0x80, v2, vm0, $0xb8;
	[tilespmem:$0x18100] =	vst v63  }
.LBB2_2:
0x93: {  	_ =	swait.ge [sflag:s29], $0x8000  }
0x94: {  	s26 =	rddreg [dreg:$0x4]  }
0x95: {  	[sflag:s29] =	ssyncset.done $0x0;
	s26 =	sadd.s32 s19, s26  }
0x96: {  	s22 =	simm.s32 $0x8100;
	[sflag:s29] =	ssyncadd.s32 $0xFFFF8000;
	s24 =	sadd.s32 $0x1000, s26  }
0x97: {  	[hbm4b:s24+s3] =	stream.linear.scatter [tilespmem:s22], [sflag:$0x5], $0x8000, $0x38;
	[tilespmem:$0x18100] =	vst v63  }
0x98: {  	_ =	swait.ge [sflag:s4], $0x8000  }
0x99: {  	[sflag:s4] =	ssyncset.done $0x0  }
0x9a: {  	[sflag:s4] =	ssyncadd.s32 $0xFFFF8000  }
0x9b: {  	v2 =	vld.msk [tilespmem:s0+$0xFFFFFFF0], $0xff;
	_ =	sdelay $0x4  }
0x9c: {  	v3 =	vshll.u32 v2, $0x5  }
0x9d: {  	v2 =	vand.u32 $0x7, v2;
	v3 =	vand.u32 $0xFFFFFF00, v3  }
0x9e: {  	v2 =	vor.u32 v2, v3  }
0x9f: {  	v2 =	vperm.xlane v2, v0;
	_ =	sdelay $0x1  }
0xa0: {  	v2 =	vadd.s32 v1, v2;
	_ =	sdelay $0x3  }
0xa1: {  	s2 =	simm.s32 $0x100;
	s30 =	rddreg [dreg:$0x1]  }
0xa2: {  	[tilespmem:s2], [sflag:$0x1] =	stream.indirect_vreg.gather [hbm4b:s30+s3], $0x80, v2, vm0, $0xb8;
	[tilespmem:$0x18100] =	vst v63  }
0xa3: {  	s24 =	simm.s32 $0x900  }
0xa4: {  	[tilespmem:s24], [sflag:$0x1] =	stream.indirect_vreg.gather [hbm4b:s5+s3], $0x80, v2, vm0, $0xb8;
	[tilespmem:$0x18100] =	vst v63  }
0xa5: {  	s24 =	simm.s32 $0x1100  }
0xa6: {  	[tilespmem:s24], [sflag:$0x1] =	stream.indirect_vreg.gather [hbm4b:s6+s3], $0x80, v2, vm0, $0xb8;
	[tilespmem:$0x18100] =	vst v63  }
0xa7: {  	s24 =	simm.s32 $0x1900  }
0xa8: {  	[tilespmem:s24], [sflag:$0x1] =	stream.indirect_vreg.gather [hbm4b:s7+s3], $0x80, v2, vm0, $0xb8;
	[tilespmem:$0x18100] =	vst v63  }
0xa9: {  	s24 =	simm.s32 $0x2100  }
0xaa: {  	[tilespmem:s24], [sflag:$0x1] =	stream.indirect_vreg.gather [hbm4b:s8+s3], $0x80, v2, vm0, $0xb8;
	[tilespmem:$0x18100] =	vst v63  }
0xab: {  	s24 =	simm.s32 $0x2900  }
0xac: {  	[tilespmem:s24], [sflag:$0x1] =	stream.indirect_vreg.gather [hbm4b:s9+s3], $0x80, v2, vm0, $0xb8;
	[tilespmem:$0x18100] =	vst v63  }
0xad: {  	s24 =	simm.s32 $0x3100  }
0xae: {  	[tilespmem:s24], [sflag:$0x1] =	stream.indirect_vreg.gather [hbm4b:s10+s3], $0x80, v2, vm0, $0xb8;
	[tilespmem:$0x18100] =	vst v63  }
0xaf: {  	s24 =	simm.s32 $0x3900  }
0xb0: {  	[tilespmem:s24], [sflag:$0x1] =	stream.indirect_vreg.gather [hbm4b:s11+s3], $0x80, v2, vm0, $0xb8;
	[tilespmem:$0x18100] =	vst v63  }
0xb1: {  	s24 =	simm.s32 $0x4100  }
0xb2: {  	[tilespmem:s24], [sflag:$0x1] =	stream.indirect_vreg.gather [hbm4b:s12+s3], $0x80, v2, vm0, $0xb8;
	[tilespmem:$0x18100] =	vst v63  }
0xb3: {  	s24 =	simm.s32 $0x4900  }
0xb4: {  	[tilespmem:s24], [sflag:$0x1] =	stream.indirect_vreg.gather [hbm4b:s13+s3], $0x80, v2, vm0, $0xb8;
	[tilespmem:$0x18100] =	vst v63  }
0xb5: {  	s24 =	simm.s32 $0x5100  }
0xb6: {  	[tilespmem:s24], [sflag:$0x1] =	stream.indirect_vreg.gather [hbm4b:s14+s3], $0x80, v2, vm0, $0xb8;
	[tilespmem:$0x18100] =	vst v63  }
0xb7: {  	s24 =	simm.s32 $0x5900  }
0xb8: {  	[tilespmem:s24], [sflag:$0x1] =	stream.indirect_vreg.gather [hbm4b:s15+s3], $0x80, v2, vm0, $0xb8;
	[tilespmem:$0x18100] =	vst v63  }
0xb9: {  	s24 =	simm.s32 $0x6100  }
0xba: {  	[tilespmem:s24], [sflag:$0x1] =	stream.indirect_vreg.gather [hbm4b:s16+s3], $0x80, v2, vm0, $0xb8;
	[tilespmem:$0x18100] =	vst v63  }
0xbb: {  	s24 =	simm.s32 $0x6900  }
0xbc: {  	[tilespmem:s24], [sflag:$0x1] =	stream.indirect_vreg.gather [hbm4b:s17+s3], $0x80, v2, vm0, $0xb8;
	[tilespmem:$0x18100] =	vst v63  }
0xbd: {  	s24 =	simm.s32 $0x7100  }
0xbe: {  	[tilespmem:s24], [sflag:$0x1] =	stream.indirect_vreg.gather [hbm4b:s18+s3], $0x80, v2, vm0, $0xb8;
	[tilespmem:$0x18100] =	vst v63  }
0xbf: {  	s24 =	simm.s32 $0x7900  }
0xc0: {  	[tilespmem:s24], [sflag:$0x1] =	stream.indirect_vreg.gather [hbm4b:s20+s3], $0x80, v2, vm0, $0xb8;
	[tilespmem:$0x18100] =	vst v63  }
0xc1: {  	_ =	swait.ge [sflag:s25], $0x8000  }
0xc2: {  	[sflag:s25] =	ssyncset.done $0x0  }
0xc3: {  	s28 =	simm.s32 $0x10100;
	s24 =	sadd.s32 $0x2000, s26;
	[sflag:s25] =	ssyncadd.s32 $0xFFFF8000  }
0xc4: {  	[hbm4b:s24+s3] =	stream.linear.scatter [tilespmem:s28], [sflag:$0x6], $0x8000, $0x38;
	[tilespmem:$0x18100] =	vst v63  }
0xc5: {  	_ =	swait.ge [sflag:s31], $0x8000  }
0xc6: {  	[sflag:s31] =	ssyncset.done $0x0  }
0xc7: {  	[sflag:s31] =	ssyncadd.s32 $0xFFFF8000  }
0xc8: {  	v2 =	vld.msk [tilespmem:s0+$0xFFFFFFF8], $0xff;
	_ =	sdelay $0x4  }
0xc9: {  	v3 =	vshll.u32 v2, $0x5  }
0xca: {  	v2 =	vand.u32 $0x7, v2;
	v3 =	vand.u32 $0xFFFFFF00, v3  }
0xcb: {  	v2 =	vor.u32 v2, v3  }
0xcc: {  	v2 =	vperm.xlane v2, v0;
	_ =	sdelay $0x1  }
0xcd: {  	v2 =	vadd.s32 v1, v2;
	_ =	sdelay $0x4  }
0xce: {  	[tilespmem:s22], [sflag:$0x2] =	stream.indirect_vreg.gather [hbm4b:s30+s3], $0x80, v2, vm0, $0xb8;
	[tilespmem:$0x18100] =	vst v63  }
0xcf: {  	s22 =	simm.s32 $0x8900  }
0xd0: {  	[tilespmem:s22], [sflag:$0x2] =	stream.indirect_vreg.gather [hbm4b:s5+s3], $0x80, v2, vm0, $0xb8;
	[tilespmem:$0x18100] =	vst v63  }
0xd1: {  	s22 =	simm.s32 $0x9100  }
0xd2: {  	[tilespmem:s22], [sflag:$0x2] =	stream.indirect_vreg.gather [hbm4b:s6+s3], $0x80, v2, vm0, $0xb8;
	[tilespmem:$0x18100] =	vst v63  }
0xd3: {  	s22 =	simm.s32 $0x9900  }
0xd4: {  	[tilespmem:s22], [sflag:$0x2] =	stream.indirect_vreg.gather [hbm4b:s7+s3], $0x80, v2, vm0, $0xb8;
	[tilespmem:$0x18100] =	vst v63  }
0xd5: {  	s22 =	simm.s32 $0xA100  }
0xd6: {  	[tilespmem:s22], [sflag:$0x2] =	stream.indirect_vreg.gather [hbm4b:s8+s3], $0x80, v2, vm0, $0xb8;
	[tilespmem:$0x18100] =	vst v63  }
0xd7: {  	s22 =	simm.s32 $0xA900  }
0xd8: {  	[tilespmem:s22], [sflag:$0x2] =	stream.indirect_vreg.gather [hbm4b:s9+s3], $0x80, v2, vm0, $0xb8;
	[tilespmem:$0x18100] =	vst v63  }
0xd9: {  	s22 =	simm.s32 $0xB100  }
0xda: {  	[tilespmem:s22], [sflag:$0x2] =	stream.indirect_vreg.gather [hbm4b:s10+s3], $0x80, v2, vm0, $0xb8;
	[tilespmem:$0x18100] =	vst v63  }
0xdb: {  	s22 =	simm.s32 $0xB900  }
0xdc: {  	[tilespmem:s22], [sflag:$0x2] =	stream.indirect_vreg.gather [hbm4b:s11+s3], $0x80, v2, vm0, $0xb8;
	[tilespmem:$0x18100] =	vst v63  }
0xdd: {  	s22 =	simm.s32 $0xC100  }
0xde: {  	[tilespmem:s22], [sflag:$0x2] =	stream.indirect_vreg.gather [hbm4b:s12+s3], $0x80, v2, vm0, $0xb8;
	[tilespmem:$0x18100] =	vst v63  }
0xdf: {  	s22 =	simm.s32 $0xC900  }
0xe0: {  	[tilespmem:s22], [sflag:$0x2] =	stream.indirect_vreg.gather [hbm4b:s13+s3], $0x80, v2, vm0, $0xb8;
	[tilespmem:$0x18100] =	vst v63  }
0xe1: {  	s22 =	simm.s32 $0xD100  }
0xe2: {  	[tilespmem:s22], [sflag:$0x2] =	stream.indirect_vreg.gather [hbm4b:s14+s3], $0x80, v2, vm0, $0xb8;
	[tilespmem:$0x18100] =	vst v63  }
0xe3: {  	s22 =	simm.s32 $0xD900  }
0xe4: {  	[tilespmem:s22], [sflag:$0x2] =	stream.indirect_vreg.gather [hbm4b:s15+s3], $0x80, v2, vm0, $0xb8;
	[tilespmem:$0x18100] =	vst v63  }
0xe5: {  	s22 =	simm.s32 $0xE100  }
0xe6: {  	[tilespmem:s22], [sflag:$0x2] =	stream.indirect_vreg.gather [hbm4b:s16+s3], $0x80, v2, vm0, $0xb8;
	[tilespmem:$0x18100] =	vst v63  }
0xe7: {  	s22 =	simm.s32 $0xE900  }
0xe8: {  	[tilespmem:s22], [sflag:$0x2] =	stream.indirect_vreg.gather [hbm4b:s17+s3], $0x80, v2, vm0, $0xb8;
	[tilespmem:$0x18100] =	vst v63  }
0xe9: {  	s22 =	simm.s32 $0xF100  }
0xea: {  	[tilespmem:s22], [sflag:$0x2] =	stream.indirect_vreg.gather [hbm4b:s18+s3], $0x80, v2, vm0, $0xb8;
	[tilespmem:$0x18100] =	vst v63  }
0xeb: {  	s22 =	simm.s32 $0xF900  }
0xec: {  	[tilespmem:s22], [sflag:$0x2] =	stream.indirect_vreg.gather [hbm4b:s20+s3], $0x80, v2, vm0, $0xb8;
	[tilespmem:$0x18100] =	vst v63  }
0xed: {  	_ =	swait.ge [sflag:s21], $0x8000  }
0xee: {  	[sflag:s21] =	ssyncset.done $0x0  }
0xef: {  	s22 =	sadd.s32 $0x3000, s26;
	[sflag:s21] =	ssyncadd.s32 $0xFFFF8000  }
0xf0: {  	[hbm4b:s22+s3] =	stream.linear.scatter [tilespmem:s2], [sflag:$0x4], $0x8000, $0x38;
	[tilespmem:$0x18100] =	vst v63  }
0xf1: {  	_ =	swait.ge [sflag:s23], $0x8000  }
0xf2: {  	[sflag:s23] =	ssyncset.done $0x0  }
0xf3: {  	[sflag:s23] =	ssyncadd.s32 $0xFFFF8000  }
0xf4: {  	v2 =	vld.msk [tilespmem:s0+$0x0], $0xff;
	_ =	sdelay $0x4  }
0xf5: {  	v3 =	vshll.u32 v2, $0x5  }
0xf6: {  	v2 =	vand.u32 $0x7, v2;
	v3 =	vand.u32 $0xFFFFFF00, v3  }
0xf7: {  	v2 =	vor.u32 v2, v3  }
0xf8: {  	v2 =	vperm.xlane v2, v0;
	_ =	sdelay $0x1  }
0xf9: {  	v2 =	vadd.s32 v1, v2;
	_ =	sdelay $0x4  }
0xfa: {  	[tilespmem:s28], [sflag:$0x3] =	stream.indirect_vreg.gather [hbm4b:s30+s3], $0x80, v2, vm0, $0xb8;
	[tilespmem:$0x18100] =	vst v63  }
0xfb: {  	s26 =	simm.s32 $0x10900  }
0xfc: {  	[tilespmem:s26], [sflag:$0x3] =	stream.indirect_vreg.gather [hbm4b:s5+s3], $0x80, v2, vm0, $0xb8;
	[tilespmem:$0x18100] =	vst v63  }
0xfd: {  	s24 =	simm.s32 $0x11100  }
0xfe: {  	[tilespmem:s24], [sflag:$0x3] =	stream.indirect_vreg.gather [hbm4b:s6+s3], $0x80, v2, vm0, $0xb8;
	[tilespmem:$0x18100] =	vst v63  }
0xff: {  	s24 =	simm.s32 $0x11900  }
0x100: {  	[tilespmem:s24], [sflag:$0x3] =	stream.indirect_vreg.gather [hbm4b:s7+s3], $0x80, v2, vm0, $0xb8;
	[tilespmem:$0x18100] =	vst v63  }
0x101: {  	s28 =	simm.s32 $0x12100  }
0x102: {  	[tilespmem:s28], [sflag:$0x3] =	stream.indirect_vreg.gather [hbm4b:s8+s3], $0x80, v2, vm0, $0xb8;
	[tilespmem:$0x18100] =	vst v63  }
0x103: {  	s24 =	simm.s32 $0x12900  }
0x104: {  	[tilespmem:s24], [sflag:$0x3] =	stream.indirect_vreg.gather [hbm4b:s9+s3], $0x80, v2, vm0, $0xb8;
	[tilespmem:$0x18100] =	vst v63  }
0x105: {  	s24 =	simm.s32 $0x13100  }
0x106: {  	[tilespmem:s24], [sflag:$0x3] =	stream.indirect_vreg.gather [hbm4b:s10+s3], $0x80, v2, vm0, $0xb8;
	[tilespmem:$0x18100] =	vst v63  }
0x107: {  	s24 =	simm.s32 $0x13900  }
0x108: {  	[tilespmem:s24], [sflag:$0x3] =	stream.indirect_vreg.gather [hbm4b:s11+s3], $0x80, v2, vm0, $0xb8;
	[tilespmem:$0x18100] =	vst v63  }
0x109: {  	s24 =	simm.s32 $0x14100  }
0x10a: {  	[tilespmem:s24], [sflag:$0x3] =	stream.indirect_vreg.gather [hbm4b:s12+s3], $0x80, v2, vm0, $0xb8;
	[tilespmem:$0x18100] =	vst v63  }
0x10b: {  	s24 =	simm.s32 $0x14900  }
0x10c: {  	[tilespmem:s24], [sflag:$0x3] =	stream.indirect_vreg.gather [hbm4b:s13+s3], $0x80, v2, vm0, $0xb8;
	[tilespmem:$0x18100] =	vst v63  }
0x10d: {  	s24 =	simm.s32 $0x15100  }
0x10e: {  	[tilespmem:s24], [sflag:$0x3] =	stream.indirect_vreg.gather [hbm4b:s14+s3], $0x80, v2, vm0, $0xb8;
	[tilespmem:$0x18100] =	vst v63  }
0x10f: {  	s24 =	simm.s32 $0x15900  }
0x110: {  	[tilespmem:s24], [sflag:$0x3] =	stream.indirect_vreg.gather [hbm4b:s15+s3], $0x80, v2, vm0, $0xb8;
	[tilespmem:$0x18100] =	vst v63  }
0x111: {  	s24 =	simm.s32 $0x16100  }
0x112: {  	[tilespmem:s24], [sflag:$0x3] =	stream.indirect_vreg.gather [hbm4b:s16+s3], $0x80, v2, vm0, $0xb8;
	[tilespmem:$0x18100] =	vst v63  }
0x113: {  	p0 =	sne.s32 s19, $0x18000;
	s24 =	simm.s32 $0x16900  }
0x114: {  	[tilespmem:s24], [sflag:$0x3] =	stream.indirect_vreg.gather [hbm4b:s17+s3], $0x80, v2, vm0, $0xb8;
	[tilespmem:$0x18100] =	vst v63  }
.Ltmp0:
0x115: {  	_ = 	snop;
	(pc) =	sbr.rel @p0 .LBB2_2-.Ltmp0, $4  }
0x116: {  	s30 =	simm.s32 $0x17100  }
0x117: {  	[tilespmem:s30], [sflag:$0x3] =	stream.indirect_vreg.gather [hbm4b:s18+s3], $0x80, v2, vm0, $0xb8;
	[tilespmem:$0x18100] =	vst v63  }
0x118: {  	s19 =	sadd.s32 $0x3000, s19;
	s22 =	simm.s32 $0x10100;
	s0 =	sadd.s32 $0x18, s0  }
0x119: {  	[tilespmem:s1], [sflag:$0x3] =	stream.indirect_vreg.gather [hbm4b:s20+s3], $0x80, v2, vm0, $0xb8;
	[tilespmem:$0x18100] =	vst v63  }
0x11a: {  	_ =	swait.ge [sflag:s29], $0x8000  }
0x11b: {  	[sflag:s29] =	ssyncset.done $0x0  }
0x11c: {  	s19 =	simm.s32 $0x8100;
	s0 =	rddreg [dreg:$0x7];
	[sflag:s29] =	ssyncadd.s32 $0xFFFF8000  }
0x11d: {  	[hbm4b:s0+s3] =	stream.linear.scatter [tilespmem:s19], [sflag:$0x5], $0x8000, $0x38;
	[tilespmem:$0x18100] =	vst v63  }
0x11e: {  	_ =	swait.ge [sflag:s4], $0x8000  }
0x11f: {  	[sflag:s4] =	ssyncset.done $0x0  }
0x120: {  	[sflag:s4] =	ssyncadd.s32 $0xFFFF8000  }
0x121: {  	v2 =	vld.msk [tilespmem:$0xF0], $0xff;
	_ =	sdelay $0x4  }
0x122: {  	v3 =	vshll.u32 v2, $0x5  }
0x123: {  	v2 =	vand.u32 $0x7, v2;
	v3 =	vand.u32 $0xFFFFFF00, v3  }
0x124: {  	v2 =	vor.u32 v2, v3  }
0x125: {  	v2 =	vperm.xlane v2, v0;
	_ =	sdelay $0x1  }
0x126: {  	v2 =	vadd.s32 v1, v2;
	_ =	sdelay $0x3  }
0x127: {  	s2 =	simm.s32 $0x100;
	s1 =	rddreg [dreg:$0x1]  }
0x128: {  	[tilespmem:s2], [sflag:$0x1] =	stream.indirect_vreg.gather [hbm4b:s1+s3], $0x80, v2, vm0, $0xb8;
	[tilespmem:$0x18100] =	vst v63  }
0x129: {  	s24 =	simm.s32 $0x900  }
0x12a: {  	[tilespmem:s24], [sflag:$0x1] =	stream.indirect_vreg.gather [hbm4b:s5+s3], $0x80, v2, vm0, $0xb8;
	[tilespmem:$0x18100] =	vst v63  }
0x12b: {  	s24 =	simm.s32 $0x1100  }
0x12c: {  	[tilespmem:s24], [sflag:$0x1] =	stream.indirect_vreg.gather [hbm4b:s6+s3], $0x80, v2, vm0, $0xb8;
	[tilespmem:$0x18100] =	vst v63  }
0x12d: {  	s24 =	simm.s32 $0x1900  }
0x12e: {  	[tilespmem:s24], [sflag:$0x1] =	stream.indirect_vreg.gather [hbm4b:s7+s3], $0x80, v2, vm0, $0xb8;
	[tilespmem:$0x18100] =	vst v63  }
0x12f: {  	s24 =	simm.s32 $0x2100  }
0x130: {  	[tilespmem:s24], [sflag:$0x1] =	stream.indirect_vreg.gather [hbm4b:s8+s3], $0x80, v2, vm0, $0xb8;
	[tilespmem:$0x18100] =	vst v63  }
0x131: {  	s24 =	simm.s32 $0x2900  }
0x132: {  	[tilespmem:s24], [sflag:$0x1] =	stream.indirect_vreg.gather [hbm4b:s9+s3], $0x80, v2, vm0, $0xb8;
	[tilespmem:$0x18100] =	vst v63  }
0x133: {  	s24 =	simm.s32 $0x3100  }
0x134: {  	[tilespmem:s24], [sflag:$0x1] =	stream.indirect_vreg.gather [hbm4b:s10+s3], $0x80, v2, vm0, $0xb8;
	[tilespmem:$0x18100] =	vst v63  }
0x135: {  	s24 =	simm.s32 $0x3900  }
0x136: {  	[tilespmem:s24], [sflag:$0x1] =	stream.indirect_vreg.gather [hbm4b:s11+s3], $0x80, v2, vm0, $0xb8;
	[tilespmem:$0x18100] =	vst v63  }
0x137: {  	s24 =	simm.s32 $0x4100  }
0x138: {  	[tilespmem:s24], [sflag:$0x1] =	stream.indirect_vreg.gather [hbm4b:s12+s3], $0x80, v2, vm0, $0xb8;
	[tilespmem:$0x18100] =	vst v63  }
0x139: {  	s24 =	simm.s32 $0x4900  }
0x13a: {  	[tilespmem:s24], [sflag:$0x1] =	stream.indirect_vreg.gather [hbm4b:s13+s3], $0x80, v2, vm0, $0xb8;
	[tilespmem:$0x18100] =	vst v63  }
0x13b: {  	s24 =	simm.s32 $0x5100  }
0x13c: {  	[tilespmem:s24], [sflag:$0x1] =	stream.indirect_vreg.gather [hbm4b:s14+s3], $0x80, v2, vm0, $0xb8;
	[tilespmem:$0x18100] =	vst v63  }
0x13d: {  	s24 =	simm.s32 $0x5900  }
0x13e: {  	[tilespmem:s24], [sflag:$0x1] =	stream.indirect_vreg.gather [hbm4b:s15+s3], $0x80, v2, vm0, $0xb8;
	[tilespmem:$0x18100] =	vst v63  }
0x13f: {  	s24 =	simm.s32 $0x6100  }
0x140: {  	[tilespmem:s24], [sflag:$0x1] =	stream.indirect_vreg.gather [hbm4b:s16+s3], $0x80, v2, vm0, $0xb8;
	[tilespmem:$0x18100] =	vst v63  }
0x141: {  	s24 =	simm.s32 $0x6900  }
0x142: {  	[tilespmem:s24], [sflag:$0x1] =	stream.indirect_vreg.gather [hbm4b:s17+s3], $0x80, v2, vm0, $0xb8;
	[tilespmem:$0x18100] =	vst v63  }
0x143: {  	s24 =	simm.s32 $0x7100  }
0x144: {  	[tilespmem:s24], [sflag:$0x1] =	stream.indirect_vreg.gather [hbm4b:s18+s3], $0x80, v2, vm0, $0xb8;
	[tilespmem:$0x18100] =	vst v63  }
0x145: {  	s24 =	simm.s32 $0x7900  }
0x146: {  	[tilespmem:s24], [sflag:$0x1] =	stream.indirect_vreg.gather [hbm4b:s20+s3], $0x80, v2, vm0, $0xb8;
	[tilespmem:$0x18100] =	vst v63  }
0x147: {  	_ =	swait.ge [sflag:s25], $0x8000  }
0x148: {  	[sflag:s25] =	ssyncset.done $0x0  }
0x149: {  	s24 =	rddreg [dreg:$0x8];
	[sflag:s25] =	ssyncadd.s32 $0xFFFF8000  }
0x14a: {  	[hbm4b:s24+s3] =	stream.linear.scatter [tilespmem:s22], [sflag:$0x6], $0x8000, $0x38;
	[tilespmem:$0x18100] =	vst v63  }
0x14b: {  	_ =	swait.ge [sflag:s31], $0x8000  }
0x14c: {  	[sflag:s31] =	ssyncset.done $0x0  }
0x14d: {  	[sflag:s31] =	ssyncadd.s32 $0xFFFF8000  }
0x14e: {  	v2 =	vld.msk [tilespmem:$0xF8], $0xff;
	_ =	sdelay $0x4  }
0x14f: {  	v3 =	vshll.u32 v2, $0x5  }
0x150: {  	v2 =	vand.u32 $0x7, v2;
	v3 =	vand.u32 $0xFFFFFF00, v3  }
0x151: {  	v2 =	vor.u32 v2, v3  }
0x152: {  	v2 =	vperm.xlane v2, v0;
	_ =	sdelay $0x1  }
0x153: {  	v2 =	vadd.s32 v1, v2;
	_ =	sdelay $0x4  }
0x154: {  	[tilespmem:s19], [sflag:$0x2] =	stream.indirect_vreg.gather [hbm4b:s1+s3], $0x80, v2, vm0, $0xb8;
	[tilespmem:$0x18100] =	vst v63  }
0x155: {  	s1 =	simm.s32 $0x8900  }
0x156: {  	[tilespmem:s1], [sflag:$0x2] =	stream.indirect_vreg.gather [hbm4b:s5+s3], $0x80, v2, vm0, $0xb8;
	[tilespmem:$0x18100] =	vst v63  }
0x157: {  	s24 =	simm.s32 $0x9100  }
0x158: {  	[tilespmem:s24], [sflag:$0x2] =	stream.indirect_vreg.gather [hbm4b:s6+s3], $0x80, v2, vm0, $0xb8;
	[tilespmem:$0x18100] =	vst v63  }
0x159: {  	s1 =	simm.s32 $0x9900  }
0x15a: {  	[tilespmem:s1], [sflag:$0x2] =	stream.indirect_vreg.gather [hbm4b:s7+s3], $0x80, v2, vm0, $0xb8;
	[tilespmem:$0x18100] =	vst v63  }
0x15b: {  	s24 =	simm.s32 $0xA100  }
0x15c: {  	[tilespmem:s24], [sflag:$0x2] =	stream.indirect_vreg.gather [hbm4b:s8+s3], $0x80, v2, vm0, $0xb8;
	[tilespmem:$0x18100] =	vst v63  }
0x15d: {  	s1 =	simm.s32 $0xA900  }
0x15e: {  	[tilespmem:s1], [sflag:$0x2] =	stream.indirect_vreg.gather [hbm4b:s9+s3], $0x80, v2, vm0, $0xb8;
	[tilespmem:$0x18100] =	vst v63  }
0x15f: {  	s24 =	simm.s32 $0xB100  }
0x160: {  	[tilespmem:s24], [sflag:$0x2] =	stream.indirect_vreg.gather [hbm4b:s10+s3], $0x80, v2, vm0, $0xb8;
	[tilespmem:$0x18100] =	vst v63  }
0x161: {  	s1 =	simm.s32 $0xB900  }
0x162: {  	[tilespmem:s1], [sflag:$0x2] =	stream.indirect_vreg.gather [hbm4b:s11+s3], $0x80, v2, vm0, $0xb8;
	[tilespmem:$0x18100] =	vst v63  }
0x163: {  	s24 =	simm.s32 $0xC100  }
0x164: {  	[tilespmem:s24], [sflag:$0x2] =	stream.indirect_vreg.gather [hbm4b:s12+s3], $0x80, v2, vm0, $0xb8;
	[tilespmem:$0x18100] =	vst v63  }
0x165: {  	s1 =	simm.s32 $0xC900  }
0x166: {  	[tilespmem:s1], [sflag:$0x2] =	stream.indirect_vreg.gather [hbm4b:s13+s3], $0x80, v2, vm0, $0xb8;
	[tilespmem:$0x18100] =	vst v63  }
0x167: {  	s24 =	simm.s32 $0xD100  }
0x168: {  	[tilespmem:s24], [sflag:$0x2] =	stream.indirect_vreg.gather [hbm4b:s14+s3], $0x80, v2, vm0, $0xb8;
	[tilespmem:$0x18100] =	vst v63  }
0x169: {  	s1 =	simm.s32 $0xD900  }
0x16a: {  	[tilespmem:s1], [sflag:$0x2] =	stream.indirect_vreg.gather [hbm4b:s15+s3], $0x80, v2, vm0, $0xb8;
	[tilespmem:$0x18100] =	vst v63  }
0x16b: {  	s24 =	simm.s32 $0xE100  }
0x16c: {  	[tilespmem:s24], [sflag:$0x2] =	stream.indirect_vreg.gather [hbm4b:s16+s3], $0x80, v2, vm0, $0xb8;
	[tilespmem:$0x18100] =	vst v63  }
0x16d: {  	s1 =	simm.s32 $0xE900  }
0x16e: {  	[tilespmem:s1], [sflag:$0x2] =	stream.indirect_vreg.gather [hbm4b:s17+s3], $0x80, v2, vm0, $0xb8;
	[tilespmem:$0x18100] =	vst v63  }
0x16f: {  	s24 =	simm.s32 $0xF100  }
0x170: {  	[tilespmem:s24], [sflag:$0x2] =	stream.indirect_vreg.gather [hbm4b:s18+s3], $0x80, v2, vm0, $0xb8;
	[tilespmem:$0x18100] =	vst v63  }
0x171: {  	s1 =	simm.s32 $0xF900  }
0x172: {  	[tilespmem:s1], [sflag:$0x2] =	stream.indirect_vreg.gather [hbm4b:s20+s3], $0x80, v2, vm0, $0xb8;
	[tilespmem:$0x18100] =	vst v63  }
0x173: {  	_ =	swait.ge [sflag:s21], $0x8000  }
0x174: {  	[sflag:s21] =	ssyncset.done $0x0  }
0x175: {  	s24 =	rddreg [dreg:$0x9];
	[sflag:s21] =	ssyncadd.s32 $0xFFFF8000  }
0x176: {  	[hbm4b:s24+s3] =	stream.linear.scatter [tilespmem:s2], [sflag:$0x4], $0x8000, $0x38;
	[tilespmem:$0x18100] =	vst v63  }
0x177: {  	_ =	swait.ge [sflag:s29], $0x8000  }
0x178: {  	[sflag:s29] =	ssyncset.done $0x0  }
0x179: {  	s1 =	rddreg [dreg:$0xa];
	[sflag:s29] =	ssyncadd.s32 $0xFFFF8000  }
0x17a: {  	[hbm4b:s1+s3] =	stream.linear.scatter [tilespmem:s19], [sflag:$0x5], $0x8000, $0x38;
	[tilespmem:$0x18100] =	vst v63  }
0x17b: {  	_ =	swait.ge [sflag:s4], $0x8000  }
0x17c: {  	[sflag:s4] =	ssyncset.done $0x0  }
0x17d: {  	[sflag:s4] =	ssyncadd.s32 $0xFFFF8000  }
0x17e: {  	_ =	swait.ge [sflag:s31], $0x8000  }
0x17f: {  	[sflag:s31] =	ssyncset.done $0x0  }
0x180: {  	[sflag:s31] =	ssyncadd.s32 $0xFFFF8000  }
0x181: {  	_ =	swait.ge [sflag:s23], $0x8000  }
0x182: {  	s19 =	rddreg [dreg:$0xc]  }
0x183: {  	s24 =	rddreg [dreg:$0xb];
	s1 =	sadd.s32 $0x1, s19  }
0x184: {  	p0 =	sne.s32 s1, s24  }
.Ltmp1:
0x185: {  	_ = 	snop;
	(pc) =	sbr.rel @p0 .LBB2_1-.Ltmp1, $3  }
0x186: {  	_ =	sdelay $0x1  }
0x187: {  	[sflag:s23] =	ssyncset.done $0x0  }
0x188: {  	s2 =	simm.s32 $0x8100;
	[sflag:s23] =	ssyncadd.s32 $0xFFFF8000  }
0x189: {  	_ =	sfence.sel $0x180000  }
0x18a: {  	[bflag:$0x0] =	sbarrier.arrive $0xFFFF  }
0x18b: {  	_ =	strace $0x90000047  }
0x18c: {  	s0 =	stileid.u32;
	[bflag:$0x2] =	sbarrier.arrive $0xFFFF  }
0x18d: {  	p0 =	sne.s32 s0, $0x0;
	s0 =	rddreg [dreg:$0x3]  }
0x18e: {  	s0 =	sadd.s32 @!p0 $0x100000, s0  }
0x18f: {  	[sflag:s0] =	ssyncadd.tile.s32 @!p0 $0x1;
	_ =	shalt  }
.Lfunc_end2:
_tile_overlayer_lowered:
.L_overlay_start_2:
0x190: {  	(tag) =	ssettag $0x2  }
0x191: {  	s0 =	rddreg [dreg:$0x0];
	s2 =	stileid.u32  }
0x192: {  	s1 =	rddreg [dreg:$0x1];
	p0 =	sne.s32 s2, $0x0  }
0x193: {  	s3 =	rddreg [dreg:$0x2];
	[bflag:$0x3] =	sbarrier.arrive $0xFFFF;
	s2 =	simm.s32 @!p0 $0x1C07  }
0x194: {  	[timem:s3], [sflag:s2] =	dma.local @!p0 [hbm:s0], s1  }
0x195: {  	s0 =	simm.s32 @!p0 $0x7  }
0x196: {  	_ =	swait.ge @!p0 [sflag:s0], s1  }
0x197: {  	s1 =	ssub.s32 @!p0 $0x0, s1;
	[sflag:s0] =	ssyncset.done @!p0 $0x0  }
0x198: {  	[sflag:s0] =	ssyncadd.s32 @!p0 s1  }
0x199: {  	[bflag:$0x3] =	sbarrier.arrive $0xFFFF  }
0x19a: {  	_ =	shalt  }

</sc_bundles>
